<compile_context>
chip_gen: v7x
topology: tpu7x:2x2x1
jax: 0.10.2.dev20260603
libtpu: 0.0.44.dev20260713+nightly
codegen_flags: <defaults>
</compile_context>

<pallas_src>
import functools

import jax
import jax.numpy as jnp
from jax import lax
from jax.experimental import pallas as pl
from jax.experimental.pallas import tpu as pltpu
from jax.experimental.pallas import tpu_sc as plsc

_INFO = plsc.get_sparse_core_info()
_NC = _INFO.num_cores
_NS = _INFO.num_subcores
_NW = _NC * _NS
_CHUNK = 128
_NBUF = 5


@functools.lru_cache(maxsize=None)
def _make_gather(n_rows: int, d: int, chunks_per_w: int):
    rows_per_w = n_rows // _NW
    ngroups = chunks_per_w // _NBUF
    mesh = plsc.VectorSubcoreMesh(core_axis_name="c", subcore_axis_name="s")

    @functools.partial(
        pl.kernel,
        mesh=mesh,
        out_type=jax.ShapeDtypeStruct((n_rows, d), jnp.float32),
        scratch_types=[
            pltpu.VMEM((chunks_per_w, _CHUNK), jnp.int32),
            pltpu.VMEM((_NBUF, _CHUNK, d), jnp.float32),
        ]
        + [pltpu.SemaphoreType.DMA] * (2 * _NBUF),
    )
    def gather_kernel(table_hbm, idx_hbm, out_hbm, idx_v, bufs, *sems):
        gsems, ssems = sems[:_NBUF], sems[_NBUF:]
        wid = lax.axis_index("s") * _NC + lax.axis_index("c")
        base = wid * rows_per_w
        pltpu.sync_copy(idx_hbm.at[wid], idx_v)

        def gstart(j, b):
            pltpu.async_copy(table_hbm.at[idx_v.at[j]], bufs.at[b], gsems[b])

        def gwait(j, b):
            pltpu.make_async_copy(
                table_hbm.at[idx_v.at[j]], bufs.at[b], gsems[b]
            ).wait()

        def sstart(j, b):
            pltpu.async_copy(
                bufs.at[b], out_hbm.at[pl.ds(base + j * _CHUNK, _CHUNK)], ssems[b]
            )

        def swait(j, b):
            pltpu.make_async_copy(
                bufs.at[b], out_hbm.at[pl.ds(base + j * _CHUNK, _CHUNK)], ssems[b]
            ).wait()

        for b in range(_NBUF):
            gstart(b, b)

        def body(g, carry):
            j0 = g * _NBUF
            for b in range(_NBUF):
                gwait(j0 + b, b)
                sstart(j0 + b, b)
            for b in range(_NBUF):
                swait(j0 + b, b)
                gstart(j0 + _NBUF + b, b)
            return carry

        lax.fori_loop(0, ngroups - 1, body, 0)

        j0 = (ngroups - 1) * _NBUF
        for b in range(_NBUF):
            gwait(j0 + b, b)
            sstart(j0 + b, b)
        for b in range(_NBUF):
            swait(j0 + b, b)

    return gather_kernel


def kernel(W, indices):
    b, h = indices.shape
    v, d = W.shape
    n_rows = b * h
    assert n_rows % (_NW * _CHUNK) == 0
    chunks_per_w = n_rows // (_NW * _CHUNK)
    assert chunks_per_w % _NBUF == 0
    idx3 = indices.reshape(_NW, chunks_per_w, _CHUNK)
    out = _make_gather(n_rows, d, chunks_per_w)(W, idx3)
    return out.reshape(b, h, d)

# --- scband reference (transcript-rebuilt; emitter-appended) ---
"""Pipeline reference for scband-posterior-69045894250693 (READ-ONLY COPY).

The authoritative reference and input builder live on the scoring server;
editing this copy changes nothing except your own understanding.
"""

import jax, jax.numpy as jnp
import numpy as np

VOCAB = 100000
EMBED_DIM = 128
PADDING_IDX = 0
BATCH = 4096
HIST = 50


def setup_inputs(seed: int = 0) -> dict:
    key = jax.random.key(seed)
    k_w, k_idx = jax.random.split(key)
    # nn.init.uniform_(weight, -0.1, 0.1) then zero the padding row
    W = jax.random.uniform(k_w, (VOCAB, EMBED_DIM), minval=-0.1, maxval=0.1, dtype=jnp.float32)
    W = W.at[PADDING_IDX].set(0.0)
    indices = jax.random.randint(k_idx, (BATCH, HIST), 0, VOCAB, dtype=jnp.int32)
    return {"W": W, "indices": indices}


def reference(W, indices):
    # Posterior.tgt_embed(indices): plain embedding lookup (padding row already zeroed in the table)
    return jnp.take(W, indices, axis=0)

if __name__ == "__main__":
    import jax
    _d = setup_inputs()
    print(jax.jit(kernel)(*tuple(_d.values())))

</pallas_src>

<mosaic_0001>
#map = affine_map<(d0, d1) -> (0, 0)>
#map1 = affine_map<(d0, d1) -> (0, 0, 0)>
module attributes {stable_mosaic.version = 14 : i64} {
  func.func @gather_kernel(%arg0: i32, %arg1: i32, %arg2: memref<100000x128xf32, #tpu.memory_space<hbm>>, %arg3: memref<32x50x128xi32, #tpu.memory_space<hbm>>, %arg4: memref<204800x128xf32, #tpu.memory_space<hbm>>, %arg5: memref<50x128xi32, #tpu.memory_space<vmem>>, %arg6: memref<5x128x128xf32, #tpu.memory_space<vmem>>, %arg7: memref<!tpu.dma_semaphore, #tpu.memory_space<semaphore_mem>>, %arg8: memref<!tpu.dma_semaphore, #tpu.memory_space<semaphore_mem>>, %arg9: memref<!tpu.dma_semaphore, #tpu.memory_space<semaphore_mem>>, %arg10: memref<!tpu.dma_semaphore, #tpu.memory_space<semaphore_mem>>, %arg11: memref<!tpu.dma_semaphore, #tpu.memory_space<semaphore_mem>>, %arg12: memref<!tpu.dma_semaphore, #tpu.memory_space<semaphore_mem>>, %arg13: memref<!tpu.dma_semaphore, #tpu.memory_space<semaphore_mem>>, %arg14: memref<!tpu.dma_semaphore, #tpu.memory_space<semaphore_mem>>, %arg15: memref<!tpu.dma_semaphore, #tpu.memory_space<semaphore_mem>>, %arg16: memref<!tpu.dma_semaphore, #tpu.memory_space<semaphore_mem>>) attributes {dimension_semantics = [#tpu.dimension_semantics<core_parallel>, #tpu.dimension_semantics<subcore_parallel>], iteration_bounds = array<i64: 2, 16>, scalar_prefetch = 0 : i64, scratch_operands = 12 : i64, tpu.core_type = #tpu.core_type<sc_vector_subcore>, window_params = [{transform_indices = #map}, {transform_indices = #map1}, {transform_indices = #map}]} {
    %mul3A = arith.constant 2 : i32
    %mul3A_0 = arith.muli %arg1, %mul3A : i32
    %add3A = arith.addi %mul3A_0, %arg0 : i32
    %mul3A_1 = arith.constant 6400 : i32
    %mul3A_2 = arith.muli %add3A, %mul3A_1 : i32
    "tpu.region"() ({
      %run_scoped3A = tpu.sem_alloc : memref<!tpu.dma_semaphore, #tpu.memory_space<semaphore_mem>>
      %dma_start3A_276 = arith.constant 0 : i32
      %dma_start3A_277 = arith.constant 0 : i32
      %dma_start3A_278 = tpu.memref_slice %arg3[%add3A, %dma_start3A_276, %dma_start3A_277] : memref<32x50x128xi32, #tpu.memory_space<hbm>> -> memref<1x50x128xi32, #tpu.memory_space<hbm>>
      %dma_start3A_279 = tpu.memref_squeeze %dma_start3A_278 : memref<1x50x128xi32, #tpu.memory_space<hbm>> -> memref<50x128xi32, #tpu.memory_space<hbm>>
      %dma_start3A_280 = arith.constant 0 : i32
      %dma_start3A_281 = arith.constant 0 : i32
      %dma_start3A_282 = tpu.memref_slice %arg3[%add3A, %dma_start3A_280, %dma_start3A_281] : memref<32x50x128xi32, #tpu.memory_space<hbm>> -> memref<1x50x128xi32, #tpu.memory_space<hbm>>
      %dma_start3A_283 = tpu.memref_squeeze %dma_start3A_282 : memref<1x50x128xi32, #tpu.memory_space<hbm>> -> memref<50x128xi32, #tpu.memory_space<hbm>>
      tpu.enqueue_dma source(%dma_start3A_283 : memref<50x128xi32, #tpu.memory_space<hbm>>) target(%arg5 : memref<50x128xi32, #tpu.memory_space<vmem>>) target_semaphore(%run_scoped3A : memref<!tpu.dma_semaphore, #tpu.memory_space<semaphore_mem>>)
      %dma_wait3A_284 = arith.constant 0 : i32
      %dma_wait3A_285 = arith.constant 0 : i32
      %dma_wait3A_286 = tpu.memref_slice %arg3[%add3A, %dma_wait3A_284, %dma_wait3A_285] : memref<32x50x128xi32, #tpu.memory_space<hbm>> -> memref<1x50x128xi32, #tpu.memory_space<hbm>>
      %dma_wait3A_287 = tpu.memref_squeeze %dma_wait3A_286 : memref<1x50x128xi32, #tpu.memory_space<hbm>> -> memref<50x128xi32, #tpu.memory_space<hbm>>
      %dma_wait3A_288 = arith.constant 0 : i32
      %dma_wait3A_289 = arith.constant 0 : i32
      %dma_wait3A_290 = tpu.memref_slice %arg3[%add3A, %dma_wait3A_288, %dma_wait3A_289] : memref<32x50x128xi32, #tpu.memory_space<hbm>> -> memref<1x50x128xi32, #tpu.memory_space<hbm>>
      %dma_wait3A_291 = tpu.memref_squeeze %dma_wait3A_290 : memref<1x50x128xi32, #tpu.memory_space<hbm>> -> memref<50x128xi32, #tpu.memory_space<hbm>>
      tpu.wait_dma2 semaphore(%run_scoped3A : memref<!tpu.dma_semaphore, #tpu.memory_space<semaphore_mem>>) src(%dma_wait3A_291 : memref<50x128xi32, #tpu.memory_space<hbm>>) dst(%arg5 : memref<50x128xi32, #tpu.memory_space<vmem>>)
      tpu.yield
    }) : () -> ()
    %dma_start3A = arith.constant 0 : i32
    %dma_start3A_3 = arith.constant 0 : i32
    %dma_start3A_4 = arith.constant 0 : i32
    %dma_start3A_5 = arith.constant 0 : i32
    %dma_start3A_6 = tpu.memref_slice %arg6[%dma_start3A_3, %dma_start3A_4, %dma_start3A_5] : memref<5x128x128xf32, #tpu.memory_space<vmem>> -> memref<1x128x128xf32, #tpu.memory_space<vmem>>
    %dma_start3A_7 = tpu.memref_squeeze %dma_start3A_6 : memref<1x128x128xf32, #tpu.memory_space<vmem>> -> memref<128x128xf32, #tpu.memory_space<vmem>>
    %dma_start3A_8 = arith.constant 0 : i32
    %dma_start3A_9 = tpu.memref_slice %arg5[%dma_start3A, %dma_start3A_8] : memref<50x128xi32, #tpu.memory_space<vmem>> -> memref<1x128xi32, #tpu.memory_space<vmem>>
    %dma_start3A_10 = tpu.memref_squeeze %dma_start3A_9 : memref<1x128xi32, #tpu.memory_space<vmem>> -> memref<128xi32, #tpu.memory_space<vmem>>
    %dma_start3A_11 = arith.constant 0 : i32
    %dma_start3A_12 = arith.constant 0 : i32
    %dma_start3A_13 = tpu.memref_slice %arg2[%dma_start3A_11, %dma_start3A_12] : memref<100000x128xf32, #tpu.memory_space<hbm>> -> memref<100000x128xf32, #tpu.memory_space<hbm>>
    tpu.enqueue_indirect_dma source(%dma_start3A_13 : memref<100000x128xf32, #tpu.memory_space<hbm>>) target(%dma_start3A_7 : memref<128x128xf32, #tpu.memory_space<vmem>>) offsets(%dma_start3A_10 : memref<128xi32, #tpu.memory_space<vmem>>) semaphore(%arg7 : memref<!tpu.dma_semaphore, #tpu.memory_space<semaphore_mem>>)
    %dma_start3A_14 = arith.constant 1 : i32
    %dma_start3A_15 = arith.constant 1 : i32
    %dma_start3A_16 = arith.constant 0 : i32
    %dma_start3A_17 = arith.constant 0 : i32
    %dma_start3A_18 = tpu.memref_slice %arg6[%dma_start3A_15, %dma_start3A_16, %dma_start3A_17] : memref<5x128x128xf32, #tpu.memory_space<vmem>> -> memref<1x128x128xf32, #tpu.memory_space<vmem>>
    %dma_start3A_19 = tpu.memref_squeeze %dma_start3A_18 : memref<1x128x128xf32, #tpu.memory_space<vmem>> -> memref<128x128xf32, #tpu.memory_space<vmem>>
    %dma_start3A_20 = arith.constant 0 : i32
    %dma_start3A_21 = tpu.memref_slice %arg5[%dma_start3A_14, %dma_start3A_20] : memref<50x128xi32, #tpu.memory_space<vmem>> -> memref<1x128xi32, #tpu.memory_space<vmem>>
    %dma_start3A_22 = tpu.memref_squeeze %dma_start3A_21 : memref<1x128xi32, #tpu.memory_space<vmem>> -> memref<128xi32, #tpu.memory_space<vmem>>
    %dma_start3A_23 = arith.constant 0 : i32
    %dma_start3A_24 = arith.constant 0 : i32
    %dma_start3A_25 = tpu.memref_slice %arg2[%dma_start3A_23, %dma_start3A_24] : memref<100000x128xf32, #tpu.memory_space<hbm>> -> memref<100000x128xf32, #tpu.memory_space<hbm>>
    tpu.enqueue_indirect_dma source(%dma_start3A_25 : memref<100000x128xf32, #tpu.memory_space<hbm>>) target(%dma_start3A_19 : memref<128x128xf32, #tpu.memory_space<vmem>>) offsets(%dma_start3A_22 : memref<128xi32, #tpu.memory_space<vmem>>) semaphore(%arg8 : memref<!tpu.dma_semaphore, #tpu.memory_space<semaphore_mem>>)
    %dma_start3A_26 = arith.constant 2 : i32
    %dma_start3A_27 = arith.constant 2 : i32
    %dma_start3A_28 = arith.constant 0 : i32
    %dma_start3A_29 = arith.constant 0 : i32
    %dma_start3A_30 = tpu.memref_slice %arg6[%dma_start3A_27, %dma_start3A_28, %dma_start3A_29] : memref<5x128x128xf32, #tpu.memory_space<vmem>> -> memref<1x128x128xf32, #tpu.memory_space<vmem>>
    %dma_start3A_31 = tpu.memref_squeeze %dma_start3A_30 : memref<1x128x128xf32, #tpu.memory_space<vmem>> -> memref<128x128xf32, #tpu.memory_space<vmem>>
    %dma_start3A_32 = arith.constant 0 : i32
    %dma_start3A_33 = tpu.memref_slice %arg5[%dma_start3A_26, %dma_start3A_32] : memref<50x128xi32, #tpu.memory_space<vmem>> -> memref<1x128xi32, #tpu.memory_space<vmem>>
    %dma_start3A_34 = tpu.memref_squeeze %dma_start3A_33 : memref<1x128xi32, #tpu.memory_space<vmem>> -> memref<128xi32, #tpu.memory_space<vmem>>
    %dma_start3A_35 = arith.constant 0 : i32
    %dma_start3A_36 = arith.constant 0 : i32
    %dma_start3A_37 = tpu.memref_slice %arg2[%dma_start3A_35, %dma_start3A_36] : memref<100000x128xf32, #tpu.memory_space<hbm>> -> memref<100000x128xf32, #tpu.memory_space<hbm>>
    tpu.enqueue_indirect_dma source(%dma_start3A_37 : memref<100000x128xf32, #tpu.memory_space<hbm>>) target(%dma_start3A_31 : memref<128x128xf32, #tpu.memory_space<vmem>>) offsets(%dma_start3A_34 : memref<128xi32, #tpu.memory_space<vmem>>) semaphore(%arg9 : memref<!tpu.dma_semaphore, #tpu.memory_space<semaphore_mem>>)
    %dma_start3A_38 = arith.constant 3 : i32
    %dma_start3A_39 = arith.constant 3 : i32
    %dma_start3A_40 = arith.constant 0 : i32
    %dma_start3A_41 = arith.constant 0 : i32
    %dma_start3A_42 = tpu.memref_slice %arg6[%dma_start3A_39, %dma_start3A_40, %dma_start3A_41] : memref<5x128x128xf32, #tpu.memory_space<vmem>> -> memref<1x128x128xf32, #tpu.memory_space<vmem>>
    %dma_start3A_43 = tpu.memref_squeeze %dma_start3A_42 : memref<1x128x128xf32, #tpu.memory_space<vmem>> -> memref<128x128xf32, #tpu.memory_space<vmem>>
    %dma_start3A_44 = arith.constant 0 : i32
    %dma_start3A_45 = tpu.memref_slice %arg5[%dma_start3A_38, %dma_start3A_44] : memref<50x128xi32, #tpu.memory_space<vmem>> -> memref<1x128xi32, #tpu.memory_space<vmem>>
    %dma_start3A_46 = tpu.memref_squeeze %dma_start3A_45 : memref<1x128xi32, #tpu.memory_space<vmem>> -> memref<128xi32, #tpu.memory_space<vmem>>
    %dma_start3A_47 = arith.constant 0 : i32
    %dma_start3A_48 = arith.constant 0 : i32
    %dma_start3A_49 = tpu.memref_slice %arg2[%dma_start3A_47, %dma_start3A_48] : memref<100000x128xf32, #tpu.memory_space<hbm>> -> memref<100000x128xf32, #tpu.memory_space<hbm>>
    tpu.enqueue_indirect_dma source(%dma_start3A_49 : memref<100000x128xf32, #tpu.memory_space<hbm>>) target(%dma_start3A_43 : memref<128x128xf32, #tpu.memory_space<vmem>>) offsets(%dma_start3A_46 : memref<128xi32, #tpu.memory_space<vmem>>) semaphore(%arg10 : memref<!tpu.dma_semaphore, #tpu.memory_space<semaphore_mem>>)
    %dma_start3A_50 = arith.constant 4 : i32
    %dma_start3A_51 = arith.constant 4 : i32
    %dma_start3A_52 = arith.constant 0 : i32
    %dma_start3A_53 = arith.constant 0 : i32
    %dma_start3A_54 = tpu.memref_slice %arg6[%dma_start3A_51, %dma_start3A_52, %dma_start3A_53] : memref<5x128x128xf32, #tpu.memory_space<vmem>> -> memref<1x128x128xf32, #tpu.memory_space<vmem>>
    %dma_start3A_55 = tpu.memref_squeeze %dma_start3A_54 : memref<1x128x128xf32, #tpu.memory_space<vmem>> -> memref<128x128xf32, #tpu.memory_space<vmem>>
    %dma_start3A_56 = arith.constant 0 : i32
    %dma_start3A_57 = tpu.memref_slice %arg5[%dma_start3A_50, %dma_start3A_56] : memref<50x128xi32, #tpu.memory_space<vmem>> -> memref<1x128xi32, #tpu.memory_space<vmem>>
    %dma_start3A_58 = tpu.memref_squeeze %dma_start3A_57 : memref<1x128xi32, #tpu.memory_space<vmem>> -> memref<128xi32, #tpu.memory_space<vmem>>
    %dma_start3A_59 = arith.constant 0 : i32
    %dma_start3A_60 = arith.constant 0 : i32
    %dma_start3A_61 = tpu.memref_slice %arg2[%dma_start3A_59, %dma_start3A_60] : memref<100000x128xf32, #tpu.memory_space<hbm>> -> memref<100000x128xf32, #tpu.memory_space<hbm>>
    tpu.enqueue_indirect_dma source(%dma_start3A_61 : memref<100000x128xf32, #tpu.memory_space<hbm>>) target(%dma_start3A_55 : memref<128x128xf32, #tpu.memory_space<vmem>>) offsets(%dma_start3A_58 : memref<128xi32, #tpu.memory_space<vmem>>) semaphore(%arg11 : memref<!tpu.dma_semaphore, #tpu.memory_space<semaphore_mem>>)
    %scan3A = arith.constant 0 : i32
    %scan3A_62 = arith.constant 0 : i32
    %scan3A_63 = arith.constant 9 : i32
    %scan3A_64 = arith.addi %scan3A_62, %scan3A_63 : i32
    %scan3A_65 = arith.constant 1 : i32
    scf.for %scan3A_276 = %scan3A_62 to %scan3A_64 step %scan3A_65  : i32 {
      %mul3A_277 = arith.constant 5 : i32
      %mul3A_278 = arith.muli %scan3A_276, %mul3A_277 : i32
      %add3A_279 = arith.constant 0 : i32
      %add3A_280 = arith.addi %mul3A_278, %add3A_279 : i32
      %dma_wait3A_281 = arith.constant 0 : i32
      %dma_wait3A_282 = arith.constant 0 : i32
      %dma_wait3A_283 = arith.constant 0 : i32
      %dma_wait3A_284 = tpu.memref_slice %arg6[%dma_wait3A_281, %dma_wait3A_282, %dma_wait3A_283] : memref<5x128x128xf32, #tpu.memory_space<vmem>> -> memref<1x128x128xf32, #tpu.memory_space<vmem>>
      %dma_wait3A_285 = tpu.memref_squeeze %dma_wait3A_284 : memref<1x128x128xf32, #tpu.memory_space<vmem>> -> memref<128x128xf32, #tpu.memory_space<vmem>>
      %dma_wait3A_286 = arith.constant 0 : i32
      %dma_wait3A_287 = tpu.memref_slice %arg5[%add3A_280, %dma_wait3A_286] : memref<50x128xi32, #tpu.memory_space<vmem>> -> memref<1x128xi32, #tpu.memory_space<vmem>>
      %dma_wait3A_288 = tpu.memref_squeeze %dma_wait3A_287 : memref<1x128xi32, #tpu.memory_space<vmem>> -> memref<128xi32, #tpu.memory_space<vmem>>
      %dma_wait3A_289 = arith.constant 0 : i32
      %dma_wait3A_290 = arith.constant 0 : i32
      %dma_wait3A_291 = tpu.memref_slice %arg2[%dma_wait3A_289, %dma_wait3A_290] : memref<100000x128xf32, #tpu.memory_space<hbm>> -> memref<100000x128xf32, #tpu.memory_space<hbm>>
      tpu.wait_indirect_dma semaphore(%arg7 : memref<!tpu.dma_semaphore, #tpu.memory_space<semaphore_mem>>) src(%dma_wait3A_291 : memref<100000x128xf32, #tpu.memory_space<hbm>>) dst(%dma_wait3A_285 : memref<128x128xf32, #tpu.memory_space<vmem>>)
      %add3A_292 = arith.constant 0 : i32
      %add3A_293 = arith.addi %mul3A_278, %add3A_292 : i32
      %mul3A_294 = arith.constant 128 : i32
      %mul3A_295 = arith.muli %add3A_293, %mul3A_294 : i32
      %add3A_296 = arith.addi %mul3A_2, %mul3A_295 : i32
      %dma_start3A_297 = arith.constant 0 : i32
      %dma_start3A_298 = arith.constant 0 : i32
      %dma_start3A_299 = arith.constant 0 : i32
      %dma_start3A_300 = tpu.memref_slice %arg6[%dma_start3A_297, %dma_start3A_298, %dma_start3A_299] : memref<5x128x128xf32, #tpu.memory_space<vmem>> -> memref<1x128x128xf32, #tpu.memory_space<vmem>>
      %dma_start3A_301 = tpu.memref_squeeze %dma_start3A_300 : memref<1x128x128xf32, #tpu.memory_space<vmem>> -> memref<128x128xf32, #tpu.memory_space<vmem>>
      %dma_start3A_302 = arith.constant 0 : i32
      %dma_start3A_303 = tpu.memref_slice %arg4[%add3A_296, %dma_start3A_302] : memref<204800x128xf32, #tpu.memory_space<hbm>> -> memref<128x128xf32, #tpu.memory_space<hbm>>
      %dma_start3A_304 = arith.constant 0 : i32
      %dma_start3A_305 = tpu.memref_slice %arg4[%add3A_296, %dma_start3A_304] : memref<204800x128xf32, #tpu.memory_space<hbm>> -> memref<128x128xf32, #tpu.memory_space<hbm>>
      %dma_start3A_306 = arith.constant 0 : i32
      %dma_start3A_307 = arith.constant 0 : i32
      %dma_start3A_308 = tpu.memref_slice %arg6[%dma_start3A_297, %dma_start3A_306, %dma_start3A_307] : memref<5x128x128xf32, #tpu.memory_space<vmem>> -> memref<1x128x128xf32, #tpu.memory_space<vmem>>
      %dma_start3A_309 = tpu.memref_squeeze %dma_start3A_308 : memref<1x128x128xf32, #tpu.memory_space<vmem>> -> memref<128x128xf32, #tpu.memory_space<vmem>>
      tpu.enqueue_dma source(%dma_start3A_309 : memref<128x128xf32, #tpu.memory_space<vmem>>) target(%dma_start3A_305 : memref<128x128xf32, #tpu.memory_space<hbm>>) target_semaphore(%arg12 : memref<!tpu.dma_semaphore, #tpu.memory_space<semaphore_mem>>)
      %add3A_310 = arith.constant 1 : i32
      %add3A_311 = arith.addi %mul3A_278, %add3A_310 : i32
      %dma_wait3A_312 = arith.constant 1 : i32
      %dma_wait3A_313 = arith.constant 0 : i32
      %dma_wait3A_314 = arith.constant 0 : i32
      %dma_wait3A_315 = tpu.memref_slice %arg6[%dma_wait3A_312, %dma_wait3A_313, %dma_wait3A_314] : memref<5x128x128xf32, #tpu.memory_space<vmem>> -> memref<1x128x128xf32, #tpu.memory_space<vmem>>
      %dma_wait3A_316 = tpu.memref_squeeze %dma_wait3A_315 : memref<1x128x128xf32, #tpu.memory_space<vmem>> -> memref<128x128xf32, #tpu.memory_space<vmem>>
      %dma_wait3A_317 = arith.constant 0 : i32
      %dma_wait3A_318 = tpu.memref_slice %arg5[%add3A_311, %dma_wait3A_317] : memref<50x128xi32, #tpu.memory_space<vmem>> -> memref<1x128xi32, #tpu.memory_space<vmem>>
      %dma_wait3A_319 = tpu.memref_squeeze %dma_wait3A_318 : memref<1x128xi32, #tpu.memory_space<vmem>> -> memref<128xi32, #tpu.memory_space<vmem>>
      %dma_wait3A_320 = arith.constant 0 : i32
      %dma_wait3A_321 = arith.constant 0 : i32
      %dma_wait3A_322 = tpu.memref_slice %arg2[%dma_wait3A_320, %dma_wait3A_321] : memref<100000x128xf32, #tpu.memory_space<hbm>> -> memref<100000x128xf32, #tpu.memory_space<hbm>>
      tpu.wait_indirect_dma semaphore(%arg8 : memref<!tpu.dma_semaphore, #tpu.memory_space<semaphore_mem>>) src(%dma_wait3A_322 : memref<100000x128xf32, #tpu.memory_space<hbm>>) dst(%dma_wait3A_316 : memref<128x128xf32, #tpu.memory_space<vmem>>)
      %add3A_323 = arith.constant 1 : i32
      %add3A_324 = arith.addi %mul3A_278, %add3A_323 : i32
      %mul3A_325 = arith.constant 128 : i32
      %mul3A_326 = arith.muli %add3A_324, %mul3A_325 : i32
      %add3A_327 = arith.addi %mul3A_2, %mul3A_326 : i32
      %dma_start3A_328 = arith.constant 1 : i32
      %dma_start3A_329 = arith.constant 0 : i32
      %dma_start3A_330 = arith.constant 0 : i32
      %dma_start3A_331 = tpu.memref_slice %arg6[%dma_start3A_328, %dma_start3A_329, %dma_start3A_330] : memref<5x128x128xf32, #tpu.memory_space<vmem>> -> memref<1x128x128xf32, #tpu.memory_space<vmem>>
      %dma_start3A_332 = tpu.memref_squeeze %dma_start3A_331 : memref<1x128x128xf32, #tpu.memory_space<vmem>> -> memref<128x128xf32, #tpu.memory_space<vmem>>
      %dma_start3A_333 = arith.constant 0 : i32
      %dma_start3A_334 = tpu.memref_slice %arg4[%add3A_327, %dma_start3A_333] : memref<204800x128xf32, #tpu.memory_space<hbm>> -> memref<128x128xf32, #tpu.memory_space<hbm>>
      %dma_start3A_335 = arith.constant 0 : i32
      %dma_start3A_336 = tpu.memref_slice %arg4[%add3A_327, %dma_start3A_335] : memref<204800x128xf32, #tpu.memory_space<hbm>> -> memref<128x128xf32, #tpu.memory_space<hbm>>
      %dma_start3A_337 = arith.constant 0 : i32
      %dma_start3A_338 = arith.constant 0 : i32
      %dma_start3A_339 = tpu.memref_slice %arg6[%dma_start3A_328, %dma_start3A_337, %dma_start3A_338] : memref<5x128x128xf32, #tpu.memory_space<vmem>> -> memref<1x128x128xf32, #tpu.memory_space<vmem>>
      %dma_start3A_340 = tpu.memref_squeeze %dma_start3A_339 : memref<1x128x128xf32, #tpu.memory_space<vmem>> -> memref<128x128xf32, #tpu.memory_space<vmem>>
      tpu.enqueue_dma source(%dma_start3A_340 : memref<128x128xf32, #tpu.memory_space<vmem>>) target(%dma_start3A_336 : memref<128x128xf32, #tpu.memory_space<hbm>>) target_semaphore(%arg13 : memref<!tpu.dma_semaphore, #tpu.memory_space<semaphore_mem>>)
      %add3A_341 = arith.constant 2 : i32
      %add3A_342 = arith.addi %mul3A_278, %add3A_341 : i32
      %dma_wait3A_343 = arith.constant 2 : i32
      %dma_wait3A_344 = arith.constant 0 : i32
      %dma_wait3A_345 = arith.constant 0 : i32
      %dma_wait3A_346 = tpu.memref_slice %arg6[%dma_wait3A_343, %dma_wait3A_344, %dma_wait3A_345] : memref<5x128x128xf32, #tpu.memory_space<vmem>> -> memref<1x128x128xf32, #tpu.memory_space<vmem>>
      %dma_wait3A_347 = tpu.memref_squeeze %dma_wait3A_346 : memref<1x128x128xf32, #tpu.memory_space<vmem>> -> memref<128x128xf32, #tpu.memory_space<vmem>>
      %dma_wait3A_348 = arith.constant 0 : i32
      %dma_wait3A_349 = tpu.memref_slice %arg5[%add3A_342, %dma_wait3A_348] : memref<50x128xi32, #tpu.memory_space<vmem>> -> memref<1x128xi32, #tpu.memory_space<vmem>>
      %dma_wait3A_350 = tpu.memref_squeeze %dma_wait3A_349 : memref<1x128xi32, #tpu.memory_space<vmem>> -> memref<128xi32, #tpu.memory_space<vmem>>
      %dma_wait3A_351 = arith.constant 0 : i32
      %dma_wait3A_352 = arith.constant 0 : i32
      %dma_wait3A_353 = tpu.memref_slice %arg2[%dma_wait3A_351, %dma_wait3A_352] : memref<100000x128xf32, #tpu.memory_space<hbm>> -> memref<100000x128xf32, #tpu.memory_space<hbm>>
      tpu.wait_indirect_dma semaphore(%arg9 : memref<!tpu.dma_semaphore, #tpu.memory_space<semaphore_mem>>) src(%dma_wait3A_353 : memref<100000x128xf32, #tpu.memory_space<hbm>>) dst(%dma_wait3A_347 : memref<128x128xf32, #tpu.memory_space<vmem>>)
      %add3A_354 = arith.constant 2 : i32
      %add3A_355 = arith.addi %mul3A_278, %add3A_354 : i32
      %mul3A_356 = arith.constant 128 : i32
      %mul3A_357 = arith.muli %add3A_355, %mul3A_356 : i32
      %add3A_358 = arith.addi %mul3A_2, %mul3A_357 : i32
      %dma_start3A_359 = arith.constant 2 : i32
      %dma_start3A_360 = arith.constant 0 : i32
      %dma_start3A_361 = arith.constant 0 : i32
      %dma_start3A_362 = tpu.memref_slice %arg6[%dma_start3A_359, %dma_start3A_360, %dma_start3A_361] : memref<5x128x128xf32, #tpu.memory_space<vmem>> -> memref<1x128x128xf32, #tpu.memory_space<vmem>>
      %dma_start3A_363 = tpu.memref_squeeze %dma_start3A_362 : memref<1x128x128xf32, #tpu.memory_space<vmem>> -> memref<128x128xf32, #tpu.memory_space<vmem>>
      %dma_start3A_364 = arith.constant 0 : i32
      %dma_start3A_365 = tpu.memref_slice %arg4[%add3A_358, %dma_start3A_364] : memref<204800x128xf32, #tpu.memory_space<hbm>> -> memref<128x128xf32, #tpu.memory_space<hbm>>
      %dma_start3A_366 = arith.constant 0 : i32
      %dma_start3A_367 = tpu.memref_slice %arg4[%add3A_358, %dma_start3A_366] : memref<204800x128xf32, #tpu.memory_space<hbm>> -> memref<128x128xf32, #tpu.memory_space<hbm>>
      %dma_start3A_368 = arith.constant 0 : i32
      %dma_start3A_369 = arith.constant 0 : i32
      %dma_start3A_370 = tpu.memref_slice %arg6[%dma_start3A_359, %dma_start3A_368, %dma_start3A_369] : memref<5x128x128xf32, #tpu.memory_space<vmem>> -> memref<1x128x128xf32, #tpu.memory_space<vmem>>
      %dma_start3A_371 = tpu.memref_squeeze %dma_start3A_370 : memref<1x128x128xf32, #tpu.memory_space<vmem>> -> memref<128x128xf32, #tpu.memory_space<vmem>>
      tpu.enqueue_dma source(%dma_start3A_371 : memref<128x128xf32, #tpu.memory_space<vmem>>) target(%dma_start3A_367 : memref<128x128xf32, #tpu.memory_space<hbm>>) target_semaphore(%arg14 : memref<!tpu.dma_semaphore, #tpu.memory_space<semaphore_mem>>)
      %add3A_372 = arith.constant 3 : i32
      %add3A_373 = arith.addi %mul3A_278, %add3A_372 : i32
      %dma_wait3A_374 = arith.constant 3 : i32
      %dma_wait3A_375 = arith.constant 0 : i32
      %dma_wait3A_376 = arith.constant 0 : i32
      %dma_wait3A_377 = tpu.memref_slice %arg6[%dma_wait3A_374, %dma_wait3A_375, %dma_wait3A_376] : memref<5x128x128xf32, #tpu.memory_space<vmem>> -> memref<1x128x128xf32, #tpu.memory_space<vmem>>
      %dma_wait3A_378 = tpu.memref_squeeze %dma_wait3A_377 : memref<1x128x128xf32, #tpu.memory_space<vmem>> -> memref<128x128xf32, #tpu.memory_space<vmem>>
      %dma_wait3A_379 = arith.constant 0 : i32
      %dma_wait3A_380 = tpu.memref_slice %arg5[%add3A_373, %dma_wait3A_379] : memref<50x128xi32, #tpu.memory_space<vmem>> -> memref<1x128xi32, #tpu.memory_space<vmem>>
      %dma_wait3A_381 = tpu.memref_squeeze %dma_wait3A_380 : memref<1x128xi32, #tpu.memory_space<vmem>> -> memref<128xi32, #tpu.memory_space<vmem>>
      %dma_wait3A_382 = arith.constant 0 : i32
      %dma_wait3A_383 = arith.constant 0 : i32
      %dma_wait3A_384 = tpu.memref_slice %arg2[%dma_wait3A_382, %dma_wait3A_383] : memref<100000x128xf32, #tpu.memory_space<hbm>> -> memref<100000x128xf32, #tpu.memory_space<hbm>>
      tpu.wait_indirect_dma semaphore(%arg10 : memref<!tpu.dma_semaphore, #tpu.memory_space<semaphore_mem>>) src(%dma_wait3A_384 : memref<100000x128xf32, #tpu.memory_space<hbm>>) dst(%dma_wait3A_378 : memref<128x128xf32, #tpu.memory_space<vmem>>)
      %add3A_385 = arith.constant 3 : i32
      %add3A_386 = arith.addi %mul3A_278, %add3A_385 : i32
      %mul3A_387 = arith.constant 128 : i32
      %mul3A_388 = arith.muli %add3A_386, %mul3A_387 : i32
      %add3A_389 = arith.addi %mul3A_2, %mul3A_388 : i32
      %dma_start3A_390 = arith.constant 3 : i32
      %dma_start3A_391 = arith.constant 0 : i32
      %dma_start3A_392 = arith.constant 0 : i32
      %dma_start3A_393 = tpu.memref_slice %arg6[%dma_start3A_390, %dma_start3A_391, %dma_start3A_392] : memref<5x128x128xf32, #tpu.memory_space<vmem>> -> memref<1x128x128xf32, #tpu.memory_space<vmem>>
      %dma_start3A_394 = tpu.memref_squeeze %dma_start3A_393 : memref<1x128x128xf32, #tpu.memory_space<vmem>> -> memref<128x128xf32, #tpu.memory_space<vmem>>
      %dma_start3A_395 = arith.constant 0 : i32
      %dma_start3A_396 = tpu.memref_slice %arg4[%add3A_389, %dma_start3A_395] : memref<204800x128xf32, #tpu.memory_space<hbm>> -> memref<128x128xf32, #tpu.memory_space<hbm>>
      %dma_start3A_397 = arith.constant 0 : i32
      %dma_start3A_398 = tpu.memref_slice %arg4[%add3A_389, %dma_start3A_397] : memref<204800x128xf32, #tpu.memory_space<hbm>> -> memref<128x128xf32, #tpu.memory_space<hbm>>
      %dma_start3A_399 = arith.constant 0 : i32
      %dma_start3A_400 = arith.constant 0 : i32
      %dma_start3A_401 = tpu.memref_slice %arg6[%dma_start3A_390, %dma_start3A_399, %dma_start3A_400] : memref<5x128x128xf32, #tpu.memory_space<vmem>> -> memref<1x128x128xf32, #tpu.memory_space<vmem>>
      %dma_start3A_402 = tpu.memref_squeeze %dma_start3A_401 : memref<1x128x128xf32, #tpu.memory_space<vmem>> -> memref<128x128xf32, #tpu.memory_space<vmem>>
      tpu.enqueue_dma source(%dma_start3A_402 : memref<128x128xf32, #tpu.memory_space<vmem>>) target(%dma_start3A_398 : memref<128x128xf32, #tpu.memory_space<hbm>>) target_semaphore(%arg15 : memref<!tpu.dma_semaphore, #tpu.memory_space<semaphore_mem>>)
      %add3A_403 = arith.constant 4 : i32
      %add3A_404 = arith.addi %mul3A_278, %add3A_403 : i32
      %dma_wait3A_405 = arith.constant 4 : i32
      %dma_wait3A_406 = arith.constant 0 : i32
      %dma_wait3A_407 = arith.constant 0 : i32
      %dma_wait3A_408 = tpu.memref_slice %arg6[%dma_wait3A_405, %dma_wait3A_406, %dma_wait3A_407] : memref<5x128x128xf32, #tpu.memory_space<vmem>> -> memref<1x128x128xf32, #tpu.memory_space<vmem>>
      %dma_wait3A_409 = tpu.memref_squeeze %dma_wait3A_408 : memref<1x128x128xf32, #tpu.memory_space<vmem>> -> memref<128x128xf32, #tpu.memory_space<vmem>>
      %dma_wait3A_410 = arith.constant 0 : i32
      %dma_wait3A_411 = tpu.memref_slice %arg5[%add3A_404, %dma_wait3A_410] : memref<50x128xi32, #tpu.memory_space<vmem>> -> memref<1x128xi32, #tpu.memory_space<vmem>>
      %dma_wait3A_412 = tpu.memref_squeeze %dma_wait3A_411 : memref<1x128xi32, #tpu.memory_space<vmem>> -> memref<128xi32, #tpu.memory_space<vmem>>
      %dma_wait3A_413 = arith.constant 0 : i32
      %dma_wait3A_414 = arith.constant 0 : i32
      %dma_wait3A_415 = tpu.memref_slice %arg2[%dma_wait3A_413, %dma_wait3A_414] : memref<100000x128xf32, #tpu.memory_space<hbm>> -> memref<100000x128xf32, #tpu.memory_space<hbm>>
      tpu.wait_indirect_dma semaphore(%arg11 : memref<!tpu.dma_semaphore, #tpu.memory_space<semaphore_mem>>) src(%dma_wait3A_415 : memref<100000x128xf32, #tpu.memory_space<hbm>>) dst(%dma_wait3A_409 : memref<128x128xf32, #tpu.memory_space<vmem>>)
      %add3A_416 = arith.constant 4 : i32
      %add3A_417 = arith.addi %mul3A_278, %add3A_416 : i32
      %mul3A_418 = arith.constant 128 : i32
      %mul3A_419 = arith.muli %add3A_417, %mul3A_418 : i32
      %add3A_420 = arith.addi %mul3A_2, %mul3A_419 : i32
      %dma_start3A_421 = arith.constant 4 : i32
      %dma_start3A_422 = arith.constant 0 : i32
      %dma_start3A_423 = arith.constant 0 : i32
      %dma_start3A_424 = tpu.memref_slice %arg6[%dma_start3A_421, %dma_start3A_422, %dma_start3A_423] : memref<5x128x128xf32, #tpu.memory_space<vmem>> -> memref<1x128x128xf32, #tpu.memory_space<vmem>>
      %dma_start3A_425 = tpu.memref_squeeze %dma_start3A_424 : memref<1x128x128xf32, #tpu.memory_space<vmem>> -> memref<128x128xf32, #tpu.memory_space<vmem>>
      %dma_start3A_426 = arith.constant 0 : i32
      %dma_start3A_427 = tpu.memref_slice %arg4[%add3A_420, %dma_start3A_426] : memref<204800x128xf32, #tpu.memory_space<hbm>> -> memref<128x128xf32, #tpu.memory_space<hbm>>
      %dma_start3A_428 = arith.constant 0 : i32
      %dma_start3A_429 = tpu.memref_slice %arg4[%add3A_420, %dma_start3A_428] : memref<204800x128xf32, #tpu.memory_space<hbm>> -> memref<128x128xf32, #tpu.memory_space<hbm>>
      %dma_start3A_430 = arith.constant 0 : i32
      %dma_start3A_431 = arith.constant 0 : i32
      %dma_start3A_432 = tpu.memref_slice %arg6[%dma_start3A_421, %dma_start3A_430, %dma_start3A_431] : memref<5x128x128xf32, #tpu.memory_space<vmem>> -> memref<1x128x128xf32, #tpu.memory_space<vmem>>
      %dma_start3A_433 = tpu.memref_squeeze %dma_start3A_432 : memref<1x128x128xf32, #tpu.memory_space<vmem>> -> memref<128x128xf32, #tpu.memory_space<vmem>>
      tpu.enqueue_dma source(%dma_start3A_433 : memref<128x128xf32, #tpu.memory_space<vmem>>) target(%dma_start3A_429 : memref<128x128xf32, #tpu.memory_space<hbm>>) target_semaphore(%arg16 : memref<!tpu.dma_semaphore, #tpu.memory_space<semaphore_mem>>)
      %add3A_434 = arith.constant 0 : i32
      %add3A_435 = arith.addi %mul3A_278, %add3A_434 : i32
      %mul3A_436 = arith.constant 128 : i32
      %mul3A_437 = arith.muli %add3A_435, %mul3A_436 : i32
      %add3A_438 = arith.addi %mul3A_2, %mul3A_437 : i32
      %dma_wait3A_439 = arith.constant 0 : i32
      %dma_wait3A_440 = arith.constant 0 : i32
      %dma_wait3A_441 = arith.constant 0 : i32
      %dma_wait3A_442 = tpu.memref_slice %arg6[%dma_wait3A_439, %dma_wait3A_440, %dma_wait3A_441] : memref<5x128x128xf32, #tpu.memory_space<vmem>> -> memref<1x128x128xf32, #tpu.memory_space<vmem>>
      %dma_wait3A_443 = tpu.memref_squeeze %dma_wait3A_442 : memref<1x128x128xf32, #tpu.memory_space<vmem>> -> memref<128x128xf32, #tpu.memory_space<vmem>>
      %dma_wait3A_444 = arith.constant 0 : i32
      %dma_wait3A_445 = tpu.memref_slice %arg4[%add3A_438, %dma_wait3A_444] : memref<204800x128xf32, #tpu.memory_space<hbm>> -> memref<128x128xf32, #tpu.memory_space<hbm>>
      %dma_wait3A_446 = arith.constant 0 : i32
      %dma_wait3A_447 = tpu.memref_slice %arg4[%add3A_438, %dma_wait3A_446] : memref<204800x128xf32, #tpu.memory_space<hbm>> -> memref<128x128xf32, #tpu.memory_space<hbm>>
      %dma_wait3A_448 = arith.constant 0 : i32
      %dma_wait3A_449 = arith.constant 0 : i32
      %dma_wait3A_450 = tpu.memref_slice %arg6[%dma_wait3A_439, %dma_wait3A_448, %dma_wait3A_449] : memref<5x128x128xf32, #tpu.memory_space<vmem>> -> memref<1x128x128xf32, #tpu.memory_space<vmem>>
      %dma_wait3A_451 = tpu.memref_squeeze %dma_wait3A_450 : memref<1x128x128xf32, #tpu.memory_space<vmem>> -> memref<128x128xf32, #tpu.memory_space<vmem>>
      tpu.wait_dma2 semaphore(%arg12 : memref<!tpu.dma_semaphore, #tpu.memory_space<semaphore_mem>>) src(%dma_wait3A_451 : memref<128x128xf32, #tpu.memory_space<vmem>>) dst(%dma_wait3A_447 : memref<128x128xf32, #tpu.memory_space<hbm>>)
      %add3A_452 = arith.constant 5 : i32
      %add3A_453 = arith.addi %mul3A_278, %add3A_452 : i32
      %add3A_454 = arith.constant 0 : i32
      %add3A_455 = arith.addi %add3A_453, %add3A_454 : i32
      %dma_start3A_456 = arith.constant 0 : i32
      %dma_start3A_457 = arith.constant 0 : i32
      %dma_start3A_458 = arith.constant 0 : i32
      %dma_start3A_459 = tpu.memref_slice %arg6[%dma_start3A_456, %dma_start3A_457, %dma_start3A_458] : memref<5x128x128xf32, #tpu.memory_space<vmem>> -> memref<1x128x128xf32, #tpu.memory_space<vmem>>
      %dma_start3A_460 = tpu.memref_squeeze %dma_start3A_459 : memref<1x128x128xf32, #tpu.memory_space<vmem>> -> memref<128x128xf32, #tpu.memory_space<vmem>>
      %dma_start3A_461 = arith.constant 0 : i32
      %dma_start3A_462 = tpu.memref_slice %arg5[%add3A_455, %dma_start3A_461] : memref<50x128xi32, #tpu.memory_space<vmem>> -> memref<1x128xi32, #tpu.memory_space<vmem>>
      %dma_start3A_463 = tpu.memref_squeeze %dma_start3A_462 : memref<1x128xi32, #tpu.memory_space<vmem>> -> memref<128xi32, #tpu.memory_space<vmem>>
      %dma_start3A_464 = arith.constant 0 : i32
      %dma_start3A_465 = arith.constant 0 : i32
      %dma_start3A_466 = tpu.memref_slice %arg2[%dma_start3A_464, %dma_start3A_465] : memref<100000x128xf32, #tpu.memory_space<hbm>> -> memref<100000x128xf32, #tpu.memory_space<hbm>>
      tpu.enqueue_indirect_dma source(%dma_start3A_466 : memref<100000x128xf32, #tpu.memory_space<hbm>>) target(%dma_start3A_460 : memref<128x128xf32, #tpu.memory_space<vmem>>) offsets(%dma_start3A_463 : memref<128xi32, #tpu.memory_space<vmem>>) semaphore(%arg7 : memref<!tpu.dma_semaphore, #tpu.memory_space<semaphore_mem>>)
      %add3A_467 = arith.constant 1 : i32
      %add3A_468 = arith.addi %mul3A_278, %add3A_467 : i32
      %mul3A_469 = arith.constant 128 : i32
      %mul3A_470 = arith.muli %add3A_468, %mul3A_469 : i32
      %add3A_471 = arith.addi %mul3A_2, %mul3A_470 : i32
      %dma_wait3A_472 = arith.constant 1 : i32
      %dma_wait3A_473 = arith.constant 0 : i32
      %dma_wait3A_474 = arith.constant 0 : i32
      %dma_wait3A_475 = tpu.memref_slice %arg6[%dma_wait3A_472, %dma_wait3A_473, %dma_wait3A_474] : memref<5x128x128xf32, #tpu.memory_space<vmem>> -> memref<1x128x128xf32, #tpu.memory_space<vmem>>
      %dma_wait3A_476 = tpu.memref_squeeze %dma_wait3A_475 : memref<1x128x128xf32, #tpu.memory_space<vmem>> -> memref<128x128xf32, #tpu.memory_space<vmem>>
      %dma_wait3A_477 = arith.constant 0 : i32
      %dma_wait3A_478 = tpu.memref_slice %arg4[%add3A_471, %dma_wait3A_477] : memref<204800x128xf32, #tpu.memory_space<hbm>> -> memref<128x128xf32, #tpu.memory_space<hbm>>
      %dma_wait3A_479 = arith.constant 0 : i32
      %dma_wait3A_480 = tpu.memref_slice %arg4[%add3A_471, %dma_wait3A_479] : memref<204800x128xf32, #tpu.memory_space<hbm>> -> memref<128x128xf32, #tpu.memory_space<hbm>>
      %dma_wait3A_481 = arith.constant 0 : i32
      %dma_wait3A_482 = arith.constant 0 : i32
      %dma_wait3A_483 = tpu.memref_slice %arg6[%dma_wait3A_472, %dma_wait3A_481, %dma_wait3A_482] : memref<5x128x128xf32, #tpu.memory_space<vmem>> -> memref<1x128x128xf32, #tpu.memory_space<vmem>>
      %dma_wait3A_484 = tpu.memref_squeeze %dma_wait3A_483 : memref<1x128x128xf32, #tpu.memory_space<vmem>> -> memref<128x128xf32, #tpu.memory_space<vmem>>
      tpu.wait_dma2 semaphore(%arg13 : memref<!tpu.dma_semaphore, #tpu.memory_space<semaphore_mem>>) src(%dma_wait3A_484 : memref<128x128xf32, #tpu.memory_space<vmem>>) dst(%dma_wait3A_480 : memref<128x128xf32, #tpu.memory_space<hbm>>)
      %add3A_485 = arith.constant 5 : i32
      %add3A_486 = arith.addi %mul3A_278, %add3A_485 : i32
      %add3A_487 = arith.constant 1 : i32
      %add3A_488 = arith.addi %add3A_486, %add3A_487 : i32
      %dma_start3A_489 = arith.constant 1 : i32
      %dma_start3A_490 = arith.constant 0 : i32
      %dma_start3A_491 = arith.constant 0 : i32
      %dma_start3A_492 = tpu.memref_slice %arg6[%dma_start3A_489, %dma_start3A_490, %dma_start3A_491] : memref<5x128x128xf32, #tpu.memory_space<vmem>> -> memref<1x128x128xf32, #tpu.memory_space<vmem>>
      %dma_start3A_493 = tpu.memref_squeeze %dma_start3A_492 : memref<1x128x128xf32, #tpu.memory_space<vmem>> -> memref<128x128xf32, #tpu.memory_space<vmem>>
      %dma_start3A_494 = arith.constant 0 : i32
      %dma_start3A_495 = tpu.memref_slice %arg5[%add3A_488, %dma_start3A_494] : memref<50x128xi32, #tpu.memory_space<vmem>> -> memref<1x128xi32, #tpu.memory_space<vmem>>
      %dma_start3A_496 = tpu.memref_squeeze %dma_start3A_495 : memref<1x128xi32, #tpu.memory_space<vmem>> -> memref<128xi32, #tpu.memory_space<vmem>>
      %dma_start3A_497 = arith.constant 0 : i32
      %dma_start3A_498 = arith.constant 0 : i32
      %dma_start3A_499 = tpu.memref_slice %arg2[%dma_start3A_497, %dma_start3A_498] : memref<100000x128xf32, #tpu.memory_space<hbm>> -> memref<100000x128xf32, #tpu.memory_space<hbm>>
      tpu.enqueue_indirect_dma source(%dma_start3A_499 : memref<100000x128xf32, #tpu.memory_space<hbm>>) target(%dma_start3A_493 : memref<128x128xf32, #tpu.memory_space<vmem>>) offsets(%dma_start3A_496 : memref<128xi32, #tpu.memory_space<vmem>>) semaphore(%arg8 : memref<!tpu.dma_semaphore, #tpu.memory_space<semaphore_mem>>)
      %add3A_500 = arith.constant 2 : i32
      %add3A_501 = arith.addi %mul3A_278, %add3A_500 : i32
      %mul3A_502 = arith.constant 128 : i32
      %mul3A_503 = arith.muli %add3A_501, %mul3A_502 : i32
      %add3A_504 = arith.addi %mul3A_2, %mul3A_503 : i32
      %dma_wait3A_505 = arith.constant 2 : i32
      %dma_wait3A_506 = arith.constant 0 : i32
      %dma_wait3A_507 = arith.constant 0 : i32
      %dma_wait3A_508 = tpu.memref_slice %arg6[%dma_wait3A_505, %dma_wait3A_506, %dma_wait3A_507] : memref<5x128x128xf32, #tpu.memory_space<vmem>> -> memref<1x128x128xf32, #tpu.memory_space<vmem>>
      %dma_wait3A_509 = tpu.memref_squeeze %dma_wait3A_508 : memref<1x128x128xf32, #tpu.memory_space<vmem>> -> memref<128x128xf32, #tpu.memory_space<vmem>>
      %dma_wait3A_510 = arith.constant 0 : i32
      %dma_wait3A_511 = tpu.memref_slice %arg4[%add3A_504, %dma_wait3A_510] : memref<204800x128xf32, #tpu.memory_space<hbm>> -> memref<128x128xf32, #tpu.memory_space<hbm>>
      %dma_wait3A_512 = arith.constant 0 : i32
      %dma_wait3A_513 = tpu.memref_slice %arg4[%add3A_504, %dma_wait3A_512] : memref<204800x128xf32, #tpu.memory_space<hbm>> -> memref<128x128xf32, #tpu.memory_space<hbm>>
      %dma_wait3A_514 = arith.constant 0 : i32
      %dma_wait3A_515 = arith.constant 0 : i32
      %dma_wait3A_516 = tpu.memref_slice %arg6[%dma_wait3A_505, %dma_wait3A_514, %dma_wait3A_515] : memref<5x128x128xf32, #tpu.memory_space<vmem>> -> memref<1x128x128xf32, #tpu.memory_space<vmem>>
      %dma_wait3A_517 = tpu.memref_squeeze %dma_wait3A_516 : memref<1x128x128xf32, #tpu.memory_space<vmem>> -> memref<128x128xf32, #tpu.memory_space<vmem>>
      tpu.wait_dma2 semaphore(%arg14 : memref<!tpu.dma_semaphore, #tpu.memory_space<semaphore_mem>>) src(%dma_wait3A_517 : memref<128x128xf32, #tpu.memory_space<vmem>>) dst(%dma_wait3A_513 : memref<128x128xf32, #tpu.memory_space<hbm>>)
      %add3A_518 = arith.constant 5 : i32
      %add3A_519 = arith.addi %mul3A_278, %add3A_518 : i32
      %add3A_520 = arith.constant 2 : i32
      %add3A_521 = arith.addi %add3A_519, %add3A_520 : i32
      %dma_start3A_522 = arith.constant 2 : i32
      %dma_start3A_523 = arith.constant 0 : i32
      %dma_start3A_524 = arith.constant 0 : i32
      %dma_start3A_525 = tpu.memref_slice %arg6[%dma_start3A_522, %dma_start3A_523, %dma_start3A_524] : memref<5x128x128xf32, #tpu.memory_space<vmem>> -> memref<1x128x128xf32, #tpu.memory_space<vmem>>
      %dma_start3A_526 = tpu.memref_squeeze %dma_start3A_525 : memref<1x128x128xf32, #tpu.memory_space<vmem>> -> memref<128x128xf32, #tpu.memory_space<vmem>>
      %dma_start3A_527 = arith.constant 0 : i32
      %dma_start3A_528 = tpu.memref_slice %arg5[%add3A_521, %dma_start3A_527] : memref<50x128xi32, #tpu.memory_space<vmem>> -> memref<1x128xi32, #tpu.memory_space<vmem>>
      %dma_start3A_529 = tpu.memref_squeeze %dma_start3A_528 : memref<1x128xi32, #tpu.memory_space<vmem>> -> memref<128xi32, #tpu.memory_space<vmem>>
      %dma_start3A_530 = arith.constant 0 : i32
      %dma_start3A_531 = arith.constant 0 : i32
      %dma_start3A_532 = tpu.memref_slice %arg2[%dma_start3A_530, %dma_start3A_531] : memref<100000x128xf32, #tpu.memory_space<hbm>> -> memref<100000x128xf32, #tpu.memory_space<hbm>>
      tpu.enqueue_indirect_dma source(%dma_start3A_532 : memref<100000x128xf32, #tpu.memory_space<hbm>>) target(%dma_start3A_526 : memref<128x128xf32, #tpu.memory_space<vmem>>) offsets(%dma_start3A_529 : memref<128xi32, #tpu.memory_space<vmem>>) semaphore(%arg9 : memref<!tpu.dma_semaphore, #tpu.memory_space<semaphore_mem>>)
      %add3A_533 = arith.constant 3 : i32
      %add3A_534 = arith.addi %mul3A_278, %add3A_533 : i32
      %mul3A_535 = arith.constant 128 : i32
      %mul3A_536 = arith.muli %add3A_534, %mul3A_535 : i32
      %add3A_537 = arith.addi %mul3A_2, %mul3A_536 : i32
      %dma_wait3A_538 = arith.constant 3 : i32
      %dma_wait3A_539 = arith.constant 0 : i32
      %dma_wait3A_540 = arith.constant 0 : i32
      %dma_wait3A_541 = tpu.memref_slice %arg6[%dma_wait3A_538, %dma_wait3A_539, %dma_wait3A_540] : memref<5x128x128xf32, #tpu.memory_space<vmem>> -> memref<1x128x128xf32, #tpu.memory_space<vmem>>
      %dma_wait3A_542 = tpu.memref_squeeze %dma_wait3A_541 : memref<1x128x128xf32, #tpu.memory_space<vmem>> -> memref<128x128xf32, #tpu.memory_space<vmem>>
      %dma_wait3A_543 = arith.constant 0 : i32
      %dma_wait3A_544 = tpu.memref_slice %arg4[%add3A_537, %dma_wait3A_543] : memref<204800x128xf32, #tpu.memory_space<hbm>> -> memref<128x128xf32, #tpu.memory_space<hbm>>
      %dma_wait3A_545 = arith.constant 0 : i32
      %dma_wait3A_546 = tpu.memref_slice %arg4[%add3A_537, %dma_wait3A_545] : memref<204800x128xf32, #tpu.memory_space<hbm>> -> memref<128x128xf32, #tpu.memory_space<hbm>>
      %dma_wait3A_547 = arith.constant 0 : i32
      %dma_wait3A_548 = arith.constant 0 : i32
      %dma_wait3A_549 = tpu.memref_slice %arg6[%dma_wait3A_538, %dma_wait3A_547, %dma_wait3A_548] : memref<5x128x128xf32, #tpu.memory_space<vmem>> -> memref<1x128x128xf32, #tpu.memory_space<vmem>>
      %dma_wait3A_550 = tpu.memref_squeeze %dma_wait3A_549 : memref<1x128x128xf32, #tpu.memory_space<vmem>> -> memref<128x128xf32, #tpu.memory_space<vmem>>
      tpu.wait_dma2 semaphore(%arg15 : memref<!tpu.dma_semaphore, #tpu.memory_space<semaphore_mem>>) src(%dma_wait3A_550 : memref<128x128xf32, #tpu.memory_space<vmem>>) dst(%dma_wait3A_546 : memref<128x128xf32, #tpu.memory_space<hbm>>)
      %add3A_551 = arith.constant 5 : i32
      %add3A_552 = arith.addi %mul3A_278, %add3A_551 : i32
      %add3A_553 = arith.constant 3 : i32
      %add3A_554 = arith.addi %add3A_552, %add3A_553 : i32
      %dma_start3A_555 = arith.constant 3 : i32
      %dma_start3A_556 = arith.constant 0 : i32
      %dma_start3A_557 = arith.constant 0 : i32
      %dma_start3A_558 = tpu.memref_slice %arg6[%dma_start3A_555, %dma_start3A_556, %dma_start3A_557] : memref<5x128x128xf32, #tpu.memory_space<vmem>> -> memref<1x128x128xf32, #tpu.memory_space<vmem>>
      %dma_start3A_559 = tpu.memref_squeeze %dma_start3A_558 : memref<1x128x128xf32, #tpu.memory_space<vmem>> -> memref<128x128xf32, #tpu.memory_space<vmem>>
      %dma_start3A_560 = arith.constant 0 : i32
      %dma_start3A_561 = tpu.memref_slice %arg5[%add3A_554, %dma_start3A_560] : memref<50x128xi32, #tpu.memory_space<vmem>> -> memref<1x128xi32, #tpu.memory_space<vmem>>
      %dma_start3A_562 = tpu.memref_squeeze %dma_start3A_561 : memref<1x128xi32, #tpu.memory_space<vmem>> -> memref<128xi32, #tpu.memory_space<vmem>>
      %dma_start3A_563 = arith.constant 0 : i32
      %dma_start3A_564 = arith.constant 0 : i32
      %dma_start3A_565 = tpu.memref_slice %arg2[%dma_start3A_563, %dma_start3A_564] : memref<100000x128xf32, #tpu.memory_space<hbm>> -> memref<100000x128xf32, #tpu.memory_space<hbm>>
      tpu.enqueue_indirect_dma source(%dma_start3A_565 : memref<100000x128xf32, #tpu.memory_space<hbm>>) target(%dma_start3A_559 : memref<128x128xf32, #tpu.memory_space<vmem>>) offsets(%dma_start3A_562 : memref<128xi32, #tpu.memory_space<vmem>>) semaphore(%arg10 : memref<!tpu.dma_semaphore, #tpu.memory_space<semaphore_mem>>)
      %add3A_566 = arith.constant 4 : i32
      %add3A_567 = arith.addi %mul3A_278, %add3A_566 : i32
      %mul3A_568 = arith.constant 128 : i32
      %mul3A_569 = arith.muli %add3A_567, %mul3A_568 : i32
      %add3A_570 = arith.addi %mul3A_2, %mul3A_569 : i32
      %dma_wait3A_571 = arith.constant 4 : i32
      %dma_wait3A_572 = arith.constant 0 : i32
      %dma_wait3A_573 = arith.constant 0 : i32
      %dma_wait3A_574 = tpu.memref_slice %arg6[%dma_wait3A_571, %dma_wait3A_572, %dma_wait3A_573] : memref<5x128x128xf32, #tpu.memory_space<vmem>> -> memref<1x128x128xf32, #tpu.memory_space<vmem>>
      %dma_wait3A_575 = tpu.memref_squeeze %dma_wait3A_574 : memref<1x128x128xf32, #tpu.memory_space<vmem>> -> memref<128x128xf32, #tpu.memory_space<vmem>>
      %dma_wait3A_576 = arith.constant 0 : i32
      %dma_wait3A_577 = tpu.memref_slice %arg4[%add3A_570, %dma_wait3A_576] : memref<204800x128xf32, #tpu.memory_space<hbm>> -> memref<128x128xf32, #tpu.memory_space<hbm>>
      %dma_wait3A_578 = arith.constant 0 : i32
      %dma_wait3A_579 = tpu.memref_slice %arg4[%add3A_570, %dma_wait3A_578] : memref<204800x128xf32, #tpu.memory_space<hbm>> -> memref<128x128xf32, #tpu.memory_space<hbm>>
      %dma_wait3A_580 = arith.constant 0 : i32
      %dma_wait3A_581 = arith.constant 0 : i32
      %dma_wait3A_582 = tpu.memref_slice %arg6[%dma_wait3A_571, %dma_wait3A_580, %dma_wait3A_581] : memref<5x128x128xf32, #tpu.memory_space<vmem>> -> memref<1x128x128xf32, #tpu.memory_space<vmem>>
      %dma_wait3A_583 = tpu.memref_squeeze %dma_wait3A_582 : memref<1x128x128xf32, #tpu.memory_space<vmem>> -> memref<128x128xf32, #tpu.memory_space<vmem>>
      tpu.wait_dma2 semaphore(%arg16 : memref<!tpu.dma_semaphore, #tpu.memory_space<semaphore_mem>>) src(%dma_wait3A_583 : memref<128x128xf32, #tpu.memory_space<vmem>>) dst(%dma_wait3A_579 : memref<128x128xf32, #tpu.memory_space<hbm>>)
      %add3A_584 = arith.constant 5 : i32
      %add3A_585 = arith.addi %mul3A_278, %add3A_584 : i32
      %add3A_586 = arith.constant 4 : i32
      %add3A_587 = arith.addi %add3A_585, %add3A_586 : i32
      %dma_start3A_588 = arith.constant 4 : i32
      %dma_start3A_589 = arith.constant 0 : i32
      %dma_start3A_590 = arith.constant 0 : i32
      %dma_start3A_591 = tpu.memref_slice %arg6[%dma_start3A_588, %dma_start3A_589, %dma_start3A_590] : memref<5x128x128xf32, #tpu.memory_space<vmem>> -> memref<1x128x128xf32, #tpu.memory_space<vmem>>
      %dma_start3A_592 = tpu.memref_squeeze %dma_start3A_591 : memref<1x128x128xf32, #tpu.memory_space<vmem>> -> memref<128x128xf32, #tpu.memory_space<vmem>>
      %dma_start3A_593 = arith.constant 0 : i32
      %dma_start3A_594 = tpu.memref_slice %arg5[%add3A_587, %dma_start3A_593] : memref<50x128xi32, #tpu.memory_space<vmem>> -> memref<1x128xi32, #tpu.memory_space<vmem>>
      %dma_start3A_595 = tpu.memref_squeeze %dma_start3A_594 : memref<1x128xi32, #tpu.memory_space<vmem>> -> memref<128xi32, #tpu.memory_space<vmem>>
      %dma_start3A_596 = arith.constant 0 : i32
      %dma_start3A_597 = arith.constant 0 : i32
      %dma_start3A_598 = tpu.memref_slice %arg2[%dma_start3A_596, %dma_start3A_597] : memref<100000x128xf32, #tpu.memory_space<hbm>> -> memref<100000x128xf32, #tpu.memory_space<hbm>>
      tpu.enqueue_indirect_dma source(%dma_start3A_598 : memref<100000x128xf32, #tpu.memory_space<hbm>>) target(%dma_start3A_592 : memref<128x128xf32, #tpu.memory_space<vmem>>) offsets(%dma_start3A_595 : memref<128xi32, #tpu.memory_space<vmem>>) semaphore(%arg11 : memref<!tpu.dma_semaphore, #tpu.memory_space<semaphore_mem>>)
    }
    %scan3A_66 = arith.constant 9 : i32
    %dma_wait3A = arith.constant 45 : i32
    %dma_wait3A_67 = arith.constant 0 : i32
    %dma_wait3A_68 = arith.constant 0 : i32
    %dma_wait3A_69 = arith.constant 0 : i32
    %dma_wait3A_70 = tpu.memref_slice %arg6[%dma_wait3A_67, %dma_wait3A_68, %dma_wait3A_69] : memref<5x128x128xf32, #tpu.memory_space<vmem>> -> memref<1x128x128xf32, #tpu.memory_space<vmem>>
    %dma_wait3A_71 = tpu.memref_squeeze %dma_wait3A_70 : memref<1x128x128xf32, #tpu.memory_space<vmem>> -> memref<128x128xf32, #tpu.memory_space<vmem>>
    %dma_wait3A_72 = arith.constant 0 : i32
    %dma_wait3A_73 = tpu.memref_slice %arg5[%dma_wait3A, %dma_wait3A_72] : memref<50x128xi32, #tpu.memory_space<vmem>> -> memref<1x128xi32, #tpu.memory_space<vmem>>
    %dma_wait3A_74 = tpu.memref_squeeze %dma_wait3A_73 : memref<1x128xi32, #tpu.memory_space<vmem>> -> memref<128xi32, #tpu.memory_space<vmem>>
    %dma_wait3A_75 = arith.constant 0 : i32
    %dma_wait3A_76 = arith.constant 0 : i32
    %dma_wait3A_77 = tpu.memref_slice %arg2[%dma_wait3A_75, %dma_wait3A_76] : memref<100000x128xf32, #tpu.memory_space<hbm>> -> memref<100000x128xf32, #tpu.memory_space<hbm>>
    tpu.wait_indirect_dma semaphore(%arg7 : memref<!tpu.dma_semaphore, #tpu.memory_space<semaphore_mem>>) src(%dma_wait3A_77 : memref<100000x128xf32, #tpu.memory_space<hbm>>) dst(%dma_wait3A_71 : memref<128x128xf32, #tpu.memory_space<vmem>>)
    %add3A_78 = arith.constant 5760 : i32
    %add3A_79 = arith.addi %mul3A_2, %add3A_78 : i32
    %dma_start3A_80 = arith.constant 0 : i32
    %dma_start3A_81 = arith.constant 0 : i32
    %dma_start3A_82 = arith.constant 0 : i32
    %dma_start3A_83 = tpu.memref_slice %arg6[%dma_start3A_80, %dma_start3A_81, %dma_start3A_82] : memref<5x128x128xf32, #tpu.memory_space<vmem>> -> memref<1x128x128xf32, #tpu.memory_space<vmem>>
    %dma_start3A_84 = tpu.memref_squeeze %dma_start3A_83 : memref<1x128x128xf32, #tpu.memory_space<vmem>> -> memref<128x128xf32, #tpu.memory_space<vmem>>
    %dma_start3A_85 = arith.constant 0 : i32
    %dma_start3A_86 = tpu.memref_slice %arg4[%add3A_79, %dma_start3A_85] : memref<204800x128xf32, #tpu.memory_space<hbm>> -> memref<128x128xf32, #tpu.memory_space<hbm>>
    %dma_start3A_87 = arith.constant 0 : i32
    %dma_start3A_88 = tpu.memref_slice %arg4[%add3A_79, %dma_start3A_87] : memref<204800x128xf32, #tpu.memory_space<hbm>> -> memref<128x128xf32, #tpu.memory_space<hbm>>
    %dma_start3A_89 = arith.constant 0 : i32
    %dma_start3A_90 = arith.constant 0 : i32
    %dma_start3A_91 = tpu.memref_slice %arg6[%dma_start3A_80, %dma_start3A_89, %dma_start3A_90] : memref<5x128x128xf32, #tpu.memory_space<vmem>> -> memref<1x128x128xf32, #tpu.memory_space<vmem>>
    %dma_start3A_92 = tpu.memref_squeeze %dma_start3A_91 : memref<1x128x128xf32, #tpu.memory_space<vmem>> -> memref<128x128xf32, #tpu.memory_space<vmem>>
    tpu.enqueue_dma source(%dma_start3A_92 : memref<128x128xf32, #tpu.memory_space<vmem>>) target(%dma_start3A_88 : memref<128x128xf32, #tpu.memory_space<hbm>>) target_semaphore(%arg12 : memref<!tpu.dma_semaphore, #tpu.memory_space<semaphore_mem>>)
    %dma_wait3A_93 = arith.constant 46 : i32
    %dma_wait3A_94 = arith.constant 1 : i32
    %dma_wait3A_95 = arith.constant 0 : i32
    %dma_wait3A_96 = arith.constant 0 : i32
    %dma_wait3A_97 = tpu.memref_slice %arg6[%dma_wait3A_94, %dma_wait3A_95, %dma_wait3A_96] : memref<5x128x128xf32, #tpu.memory_space<vmem>> -> memref<1x128x128xf32, #tpu.memory_space<vmem>>
    %dma_wait3A_98 = tpu.memref_squeeze %dma_wait3A_97 : memref<1x128x128xf32, #tpu.memory_space<vmem>> -> memref<128x128xf32, #tpu.memory_space<vmem>>
    %dma_wait3A_99 = arith.constant 0 : i32
    %dma_wait3A_100 = tpu.memref_slice %arg5[%dma_wait3A_93, %dma_wait3A_99] : memref<50x128xi32, #tpu.memory_space<vmem>> -> memref<1x128xi32, #tpu.memory_space<vmem>>
    %dma_wait3A_101 = tpu.memref_squeeze %dma_wait3A_100 : memref<1x128xi32, #tpu.memory_space<vmem>> -> memref<128xi32, #tpu.memory_space<vmem>>
    %dma_wait3A_102 = arith.constant 0 : i32
    %dma_wait3A_103 = arith.constant 0 : i32
    %dma_wait3A_104 = tpu.memref_slice %arg2[%dma_wait3A_102, %dma_wait3A_103] : memref<100000x128xf32, #tpu.memory_space<hbm>> -> memref<100000x128xf32, #tpu.memory_space<hbm>>
    tpu.wait_indirect_dma semaphore(%arg8 : memref<!tpu.dma_semaphore, #tpu.memory_space<semaphore_mem>>) src(%dma_wait3A_104 : memref<100000x128xf32, #tpu.memory_space<hbm>>) dst(%dma_wait3A_98 : memref<128x128xf32, #tpu.memory_space<vmem>>)
    %add3A_105 = arith.constant 5888 : i32
    %add3A_106 = arith.addi %mul3A_2, %add3A_105 : i32
    %dma_start3A_107 = arith.constant 1 : i32
    %dma_start3A_108 = arith.constant 0 : i32
    %dma_start3A_109 = arith.constant 0 : i32
    %dma_start3A_110 = tpu.memref_slice %arg6[%dma_start3A_107, %dma_start3A_108, %dma_start3A_109] : memref<5x128x128xf32, #tpu.memory_space<vmem>> -> memref<1x128x128xf32, #tpu.memory_space<vmem>>
    %dma_start3A_111 = tpu.memref_squeeze %dma_start3A_110 : memref<1x128x128xf32, #tpu.memory_space<vmem>> -> memref<128x128xf32, #tpu.memory_space<vmem>>
    %dma_start3A_112 = arith.constant 0 : i32
    %dma_start3A_113 = tpu.memref_slice %arg4[%add3A_106, %dma_start3A_112] : memref<204800x128xf32, #tpu.memory_space<hbm>> -> memref<128x128xf32, #tpu.memory_space<hbm>>
    %dma_start3A_114 = arith.constant 0 : i32
    %dma_start3A_115 = tpu.memref_slice %arg4[%add3A_106, %dma_start3A_114] : memref<204800x128xf32, #tpu.memory_space<hbm>> -> memref<128x128xf32, #tpu.memory_space<hbm>>
    %dma_start3A_116 = arith.constant 0 : i32
    %dma_start3A_117 = arith.constant 0 : i32
    %dma_start3A_118 = tpu.memref_slice %arg6[%dma_start3A_107, %dma_start3A_116, %dma_start3A_117] : memref<5x128x128xf32, #tpu.memory_space<vmem>> -> memref<1x128x128xf32, #tpu.memory_space<vmem>>
    %dma_start3A_119 = tpu.memref_squeeze %dma_start3A_118 : memref<1x128x128xf32, #tpu.memory_space<vmem>> -> memref<128x128xf32, #tpu.memory_space<vmem>>
    tpu.enqueue_dma source(%dma_start3A_119 : memref<128x128xf32, #tpu.memory_space<vmem>>) target(%dma_start3A_115 : memref<128x128xf32, #tpu.memory_space<hbm>>) target_semaphore(%arg13 : memref<!tpu.dma_semaphore, #tpu.memory_space<semaphore_mem>>)
    %dma_wait3A_120 = arith.constant 47 : i32
    %dma_wait3A_121 = arith.constant 2 : i32
    %dma_wait3A_122 = arith.constant 0 : i32
    %dma_wait3A_123 = arith.constant 0 : i32
    %dma_wait3A_124 = tpu.memref_slice %arg6[%dma_wait3A_121, %dma_wait3A_122, %dma_wait3A_123] : memref<5x128x128xf32, #tpu.memory_space<vmem>> -> memref<1x128x128xf32, #tpu.memory_space<vmem>>
    %dma_wait3A_125 = tpu.memref_squeeze %dma_wait3A_124 : memref<1x128x128xf32, #tpu.memory_space<vmem>> -> memref<128x128xf32, #tpu.memory_space<vmem>>
    %dma_wait3A_126 = arith.constant 0 : i32
    %dma_wait3A_127 = tpu.memref_slice %arg5[%dma_wait3A_120, %dma_wait3A_126] : memref<50x128xi32, #tpu.memory_space<vmem>> -> memref<1x128xi32, #tpu.memory_space<vmem>>
    %dma_wait3A_128 = tpu.memref_squeeze %dma_wait3A_127 : memref<1x128xi32, #tpu.memory_space<vmem>> -> memref<128xi32, #tpu.memory_space<vmem>>
    %dma_wait3A_129 = arith.constant 0 : i32
    %dma_wait3A_130 = arith.constant 0 : i32
    %dma_wait3A_131 = tpu.memref_slice %arg2[%dma_wait3A_129, %dma_wait3A_130] : memref<100000x128xf32, #tpu.memory_space<hbm>> -> memref<100000x128xf32, #tpu.memory_space<hbm>>
    tpu.wait_indirect_dma semaphore(%arg9 : memref<!tpu.dma_semaphore, #tpu.memory_space<semaphore_mem>>) src(%dma_wait3A_131 : memref<100000x128xf32, #tpu.memory_space<hbm>>) dst(%dma_wait3A_125 : memref<128x128xf32, #tpu.memory_space<vmem>>)
    %add3A_132 = arith.constant 6016 : i32
    %add3A_133 = arith.addi %mul3A_2, %add3A_132 : i32
    %dma_start3A_134 = arith.constant 2 : i32
    %dma_start3A_135 = arith.constant 0 : i32
    %dma_start3A_136 = arith.constant 0 : i32
    %dma_start3A_137 = tpu.memref_slice %arg6[%dma_start3A_134, %dma_start3A_135, %dma_start3A_136] : memref<5x128x128xf32, #tpu.memory_space<vmem>> -> memref<1x128x128xf32, #tpu.memory_space<vmem>>
    %dma_start3A_138 = tpu.memref_squeeze %dma_start3A_137 : memref<1x128x128xf32, #tpu.memory_space<vmem>> -> memref<128x128xf32, #tpu.memory_space<vmem>>
    %dma_start3A_139 = arith.constant 0 : i32
    %dma_start3A_140 = tpu.memref_slice %arg4[%add3A_133, %dma_start3A_139] : memref<204800x128xf32, #tpu.memory_space<hbm>> -> memref<128x128xf32, #tpu.memory_space<hbm>>
    %dma_start3A_141 = arith.constant 0 : i32
    %dma_start3A_142 = tpu.memref_slice %arg4[%add3A_133, %dma_start3A_141] : memref<204800x128xf32, #tpu.memory_space<hbm>> -> memref<128x128xf32, #tpu.memory_space<hbm>>
    %dma_start3A_143 = arith.constant 0 : i32
    %dma_start3A_144 = arith.constant 0 : i32
    %dma_start3A_145 = tpu.memref_slice %arg6[%dma_start3A_134, %dma_start3A_143, %dma_start3A_144] : memref<5x128x128xf32, #tpu.memory_space<vmem>> -> memref<1x128x128xf32, #tpu.memory_space<vmem>>
    %dma_start3A_146 = tpu.memref_squeeze %dma_start3A_145 : memref<1x128x128xf32, #tpu.memory_space<vmem>> -> memref<128x128xf32, #tpu.memory_space<vmem>>
    tpu.enqueue_dma source(%dma_start3A_146 : memref<128x128xf32, #tpu.memory_space<vmem>>) target(%dma_start3A_142 : memref<128x128xf32, #tpu.memory_space<hbm>>) target_semaphore(%arg14 : memref<!tpu.dma_semaphore, #tpu.memory_space<semaphore_mem>>)
    %dma_wait3A_147 = arith.constant 48 : i32
    %dma_wait3A_148 = arith.constant 3 : i32
    %dma_wait3A_149 = arith.constant 0 : i32
    %dma_wait3A_150 = arith.constant 0 : i32
    %dma_wait3A_151 = tpu.memref_slice %arg6[%dma_wait3A_148, %dma_wait3A_149, %dma_wait3A_150] : memref<5x128x128xf32, #tpu.memory_space<vmem>> -> memref<1x128x128xf32, #tpu.memory_space<vmem>>
    %dma_wait3A_152 = tpu.memref_squeeze %dma_wait3A_151 : memref<1x128x128xf32, #tpu.memory_space<vmem>> -> memref<128x128xf32, #tpu.memory_space<vmem>>
    %dma_wait3A_153 = arith.constant 0 : i32
    %dma_wait3A_154 = tpu.memref_slice %arg5[%dma_wait3A_147, %dma_wait3A_153] : memref<50x128xi32, #tpu.memory_space<vmem>> -> memref<1x128xi32, #tpu.memory_space<vmem>>
    %dma_wait3A_155 = tpu.memref_squeeze %dma_wait3A_154 : memref<1x128xi32, #tpu.memory_space<vmem>> -> memref<128xi32, #tpu.memory_space<vmem>>
    %dma_wait3A_156 = arith.constant 0 : i32
    %dma_wait3A_157 = arith.constant 0 : i32
    %dma_wait3A_158 = tpu.memref_slice %arg2[%dma_wait3A_156, %dma_wait3A_157] : memref<100000x128xf32, #tpu.memory_space<hbm>> -> memref<100000x128xf32, #tpu.memory_space<hbm>>
    tpu.wait_indirect_dma semaphore(%arg10 : memref<!tpu.dma_semaphore, #tpu.memory_space<semaphore_mem>>) src(%dma_wait3A_158 : memref<100000x128xf32, #tpu.memory_space<hbm>>) dst(%dma_wait3A_152 : memref<128x128xf32, #tpu.memory_space<vmem>>)
    %add3A_159 = arith.constant 6144 : i32
    %add3A_160 = arith.addi %mul3A_2, %add3A_159 : i32
    %dma_start3A_161 = arith.constant 3 : i32
    %dma_start3A_162 = arith.constant 0 : i32
    %dma_start3A_163 = arith.constant 0 : i32
    %dma_start3A_164 = tpu.memref_slice %arg6[%dma_start3A_161, %dma_start3A_162, %dma_start3A_163] : memref<5x128x128xf32, #tpu.memory_space<vmem>> -> memref<1x128x128xf32, #tpu.memory_space<vmem>>
    %dma_start3A_165 = tpu.memref_squeeze %dma_start3A_164 : memref<1x128x128xf32, #tpu.memory_space<vmem>> -> memref<128x128xf32, #tpu.memory_space<vmem>>
    %dma_start3A_166 = arith.constant 0 : i32
    %dma_start3A_167 = tpu.memref_slice %arg4[%add3A_160, %dma_start3A_166] : memref<204800x128xf32, #tpu.memory_space<hbm>> -> memref<128x128xf32, #tpu.memory_space<hbm>>
    %dma_start3A_168 = arith.constant 0 : i32
    %dma_start3A_169 = tpu.memref_slice %arg4[%add3A_160, %dma_start3A_168] : memref<204800x128xf32, #tpu.memory_space<hbm>> -> memref<128x128xf32, #tpu.memory_space<hbm>>
    %dma_start3A_170 = arith.constant 0 : i32
    %dma_start3A_171 = arith.constant 0 : i32
    %dma_start3A_172 = tpu.memref_slice %arg6[%dma_start3A_161, %dma_start3A_170, %dma_start3A_171] : memref<5x128x128xf32, #tpu.memory_space<vmem>> -> memref<1x128x128xf32, #tpu.memory_space<vmem>>
    %dma_start3A_173 = tpu.memref_squeeze %dma_start3A_172 : memref<1x128x128xf32, #tpu.memory_space<vmem>> -> memref<128x128xf32, #tpu.memory_space<vmem>>
    tpu.enqueue_dma source(%dma_start3A_173 : memref<128x128xf32, #tpu.memory_space<vmem>>) target(%dma_start3A_169 : memref<128x128xf32, #tpu.memory_space<hbm>>) target_semaphore(%arg15 : memref<!tpu.dma_semaphore, #tpu.memory_space<semaphore_mem>>)
    %dma_wait3A_174 = arith.constant 49 : i32
    %dma_wait3A_175 = arith.constant 4 : i32
    %dma_wait3A_176 = arith.constant 0 : i32
    %dma_wait3A_177 = arith.constant 0 : i32
    %dma_wait3A_178 = tpu.memref_slice %arg6[%dma_wait3A_175, %dma_wait3A_176, %dma_wait3A_177] : memref<5x128x128xf32, #tpu.memory_space<vmem>> -> memref<1x128x128xf32, #tpu.memory_space<vmem>>
    %dma_wait3A_179 = tpu.memref_squeeze %dma_wait3A_178 : memref<1x128x128xf32, #tpu.memory_space<vmem>> -> memref<128x128xf32, #tpu.memory_space<vmem>>
    %dma_wait3A_180 = arith.constant 0 : i32
    %dma_wait3A_181 = tpu.memref_slice %arg5[%dma_wait3A_174, %dma_wait3A_180] : memref<50x128xi32, #tpu.memory_space<vmem>> -> memref<1x128xi32, #tpu.memory_space<vmem>>
    %dma_wait3A_182 = tpu.memref_squeeze %dma_wait3A_181 : memref<1x128xi32, #tpu.memory_space<vmem>> -> memref<128xi32, #tpu.memory_space<vmem>>
    %dma_wait3A_183 = arith.constant 0 : i32
    %dma_wait3A_184 = arith.constant 0 : i32
    %dma_wait3A_185 = tpu.memref_slice %arg2[%dma_wait3A_183, %dma_wait3A_184] : memref<100000x128xf32, #tpu.memory_space<hbm>> -> memref<100000x128xf32, #tpu.memory_space<hbm>>
    tpu.wait_indirect_dma semaphore(%arg11 : memref<!tpu.dma_semaphore, #tpu.memory_space<semaphore_mem>>) src(%dma_wait3A_185 : memref<100000x128xf32, #tpu.memory_space<hbm>>) dst(%dma_wait3A_179 : memref<128x128xf32, #tpu.memory_space<vmem>>)
    %add3A_186 = arith.constant 6272 : i32
    %add3A_187 = arith.addi %mul3A_2, %add3A_186 : i32
    %dma_start3A_188 = arith.constant 4 : i32
    %dma_start3A_189 = arith.constant 0 : i32
    %dma_start3A_190 = arith.constant 0 : i32
    %dma_start3A_191 = tpu.memref_slice %arg6[%dma_start3A_188, %dma_start3A_189, %dma_start3A_190] : memref<5x128x128xf32, #tpu.memory_space<vmem>> -> memref<1x128x128xf32, #tpu.memory_space<vmem>>
    %dma_start3A_192 = tpu.memref_squeeze %dma_start3A_191 : memref<1x128x128xf32, #tpu.memory_space<vmem>> -> memref<128x128xf32, #tpu.memory_space<vmem>>
    %dma_start3A_193 = arith.constant 0 : i32
    %dma_start3A_194 = tpu.memref_slice %arg4[%add3A_187, %dma_start3A_193] : memref<204800x128xf32, #tpu.memory_space<hbm>> -> memref<128x128xf32, #tpu.memory_space<hbm>>
    %dma_start3A_195 = arith.constant 0 : i32
    %dma_start3A_196 = tpu.memref_slice %arg4[%add3A_187, %dma_start3A_195] : memref<204800x128xf32, #tpu.memory_space<hbm>> -> memref<128x128xf32, #tpu.memory_space<hbm>>
    %dma_start3A_197 = arith.constant 0 : i32
    %dma_start3A_198 = arith.constant 0 : i32
    %dma_start3A_199 = tpu.memref_slice %arg6[%dma_start3A_188, %dma_start3A_197, %dma_start3A_198] : memref<5x128x128xf32, #tpu.memory_space<vmem>> -> memref<1x128x128xf32, #tpu.memory_space<vmem>>
    %dma_start3A_200 = tpu.memref_squeeze %dma_start3A_199 : memref<1x128x128xf32, #tpu.memory_space<vmem>> -> memref<128x128xf32, #tpu.memory_space<vmem>>
    tpu.enqueue_dma source(%dma_start3A_200 : memref<128x128xf32, #tpu.memory_space<vmem>>) target(%dma_start3A_196 : memref<128x128xf32, #tpu.memory_space<hbm>>) target_semaphore(%arg16 : memref<!tpu.dma_semaphore, #tpu.memory_space<semaphore_mem>>)
    %add3A_201 = arith.constant 5760 : i32
    %add3A_202 = arith.addi %mul3A_2, %add3A_201 : i32
    %dma_wait3A_203 = arith.constant 0 : i32
    %dma_wait3A_204 = arith.constant 0 : i32
    %dma_wait3A_205 = arith.constant 0 : i32
    %dma_wait3A_206 = tpu.memref_slice %arg6[%dma_wait3A_203, %dma_wait3A_204, %dma_wait3A_205] : memref<5x128x128xf32, #tpu.memory_space<vmem>> -> memref<1x128x128xf32, #tpu.memory_space<vmem>>
    %dma_wait3A_207 = tpu.memref_squeeze %dma_wait3A_206 : memref<1x128x128xf32, #tpu.memory_space<vmem>> -> memref<128x128xf32, #tpu.memory_space<vmem>>
    %dma_wait3A_208 = arith.constant 0 : i32
    %dma_wait3A_209 = tpu.memref_slice %arg4[%add3A_202, %dma_wait3A_208] : memref<204800x128xf32, #tpu.memory_space<hbm>> -> memref<128x128xf32, #tpu.memory_space<hbm>>
    %dma_wait3A_210 = arith.constant 0 : i32
    %dma_wait3A_211 = tpu.memref_slice %arg4[%add3A_202, %dma_wait3A_210] : memref<204800x128xf32, #tpu.memory_space<hbm>> -> memref<128x128xf32, #tpu.memory_space<hbm>>
    %dma_wait3A_212 = arith.constant 0 : i32
    %dma_wait3A_213 = arith.constant 0 : i32
    %dma_wait3A_214 = tpu.memref_slice %arg6[%dma_wait3A_203, %dma_wait3A_212, %dma_wait3A_213] : memref<5x128x128xf32, #tpu.memory_space<vmem>> -> memref<1x128x128xf32, #tpu.memory_space<vmem>>
    %dma_wait3A_215 = tpu.memref_squeeze %dma_wait3A_214 : memref<1x128x128xf32, #tpu.memory_space<vmem>> -> memref<128x128xf32, #tpu.memory_space<vmem>>
    tpu.wait_dma2 semaphore(%arg12 : memref<!tpu.dma_semaphore, #tpu.memory_space<semaphore_mem>>) src(%dma_wait3A_215 : memref<128x128xf32, #tpu.memory_space<vmem>>) dst(%dma_wait3A_211 : memref<128x128xf32, #tpu.memory_space<hbm>>)
    %add3A_216 = arith.constant 5888 : i32
    %add3A_217 = arith.addi %mul3A_2, %add3A_216 : i32
    %dma_wait3A_218 = arith.constant 1 : i32
    %dma_wait3A_219 = arith.constant 0 : i32
    %dma_wait3A_220 = arith.constant 0 : i32
    %dma_wait3A_221 = tpu.memref_slice %arg6[%dma_wait3A_218, %dma_wait3A_219, %dma_wait3A_220] : memref<5x128x128xf32, #tpu.memory_space<vmem>> -> memref<1x128x128xf32, #tpu.memory_space<vmem>>
    %dma_wait3A_222 = tpu.memref_squeeze %dma_wait3A_221 : memref<1x128x128xf32, #tpu.memory_space<vmem>> -> memref<128x128xf32, #tpu.memory_space<vmem>>
    %dma_wait3A_223 = arith.constant 0 : i32
    %dma_wait3A_224 = tpu.memref_slice %arg4[%add3A_217, %dma_wait3A_223] : memref<204800x128xf32, #tpu.memory_space<hbm>> -> memref<128x128xf32, #tpu.memory_space<hbm>>
    %dma_wait3A_225 = arith.constant 0 : i32
    %dma_wait3A_226 = tpu.memref_slice %arg4[%add3A_217, %dma_wait3A_225] : memref<204800x128xf32, #tpu.memory_space<hbm>> -> memref<128x128xf32, #tpu.memory_space<hbm>>
    %dma_wait3A_227 = arith.constant 0 : i32
    %dma_wait3A_228 = arith.constant 0 : i32
    %dma_wait3A_229 = tpu.memref_slice %arg6[%dma_wait3A_218, %dma_wait3A_227, %dma_wait3A_228] : memref<5x128x128xf32, #tpu.memory_space<vmem>> -> memref<1x128x128xf32, #tpu.memory_space<vmem>>
    %dma_wait3A_230 = tpu.memref_squeeze %dma_wait3A_229 : memref<1x128x128xf32, #tpu.memory_space<vmem>> -> memref<128x128xf32, #tpu.memory_space<vmem>>
    tpu.wait_dma2 semaphore(%arg13 : memref<!tpu.dma_semaphore, #tpu.memory_space<semaphore_mem>>) src(%dma_wait3A_230 : memref<128x128xf32, #tpu.memory_space<vmem>>) dst(%dma_wait3A_226 : memref<128x128xf32, #tpu.memory_space<hbm>>)
    %add3A_231 = arith.constant 6016 : i32
    %add3A_232 = arith.addi %mul3A_2, %add3A_231 : i32
    %dma_wait3A_233 = arith.constant 2 : i32
    %dma_wait3A_234 = arith.constant 0 : i32
    %dma_wait3A_235 = arith.constant 0 : i32
    %dma_wait3A_236 = tpu.memref_slice %arg6[%dma_wait3A_233, %dma_wait3A_234, %dma_wait3A_235] : memref<5x128x128xf32, #tpu.memory_space<vmem>> -> memref<1x128x128xf32, #tpu.memory_space<vmem>>
    %dma_wait3A_237 = tpu.memref_squeeze %dma_wait3A_236 : memref<1x128x128xf32, #tpu.memory_space<vmem>> -> memref<128x128xf32, #tpu.memory_space<vmem>>
    %dma_wait3A_238 = arith.constant 0 : i32
    %dma_wait3A_239 = tpu.memref_slice %arg4[%add3A_232, %dma_wait3A_238] : memref<204800x128xf32, #tpu.memory_space<hbm>> -> memref<128x128xf32, #tpu.memory_space<hbm>>
    %dma_wait3A_240 = arith.constant 0 : i32
    %dma_wait3A_241 = tpu.memref_slice %arg4[%add3A_232, %dma_wait3A_240] : memref<204800x128xf32, #tpu.memory_space<hbm>> -> memref<128x128xf32, #tpu.memory_space<hbm>>
    %dma_wait3A_242 = arith.constant 0 : i32
    %dma_wait3A_243 = arith.constant 0 : i32
    %dma_wait3A_244 = tpu.memref_slice %arg6[%dma_wait3A_233, %dma_wait3A_242, %dma_wait3A_243] : memref<5x128x128xf32, #tpu.memory_space<vmem>> -> memref<1x128x128xf32, #tpu.memory_space<vmem>>
    %dma_wait3A_245 = tpu.memref_squeeze %dma_wait3A_244 : memref<1x128x128xf32, #tpu.memory_space<vmem>> -> memref<128x128xf32, #tpu.memory_space<vmem>>
    tpu.wait_dma2 semaphore(%arg14 : memref<!tpu.dma_semaphore, #tpu.memory_space<semaphore_mem>>) src(%dma_wait3A_245 : memref<128x128xf32, #tpu.memory_space<vmem>>) dst(%dma_wait3A_241 : memref<128x128xf32, #tpu.memory_space<hbm>>)
    %add3A_246 = arith.constant 6144 : i32
    %add3A_247 = arith.addi %mul3A_2, %add3A_246 : i32
    %dma_wait3A_248 = arith.constant 3 : i32
    %dma_wait3A_249 = arith.constant 0 : i32
    %dma_wait3A_250 = arith.constant 0 : i32
    %dma_wait3A_251 = tpu.memref_slice %arg6[%dma_wait3A_248, %dma_wait3A_249, %dma_wait3A_250] : memref<5x128x128xf32, #tpu.memory_space<vmem>> -> memref<1x128x128xf32, #tpu.memory_space<vmem>>
    %dma_wait3A_252 = tpu.memref_squeeze %dma_wait3A_251 : memref<1x128x128xf32, #tpu.memory_space<vmem>> -> memref<128x128xf32, #tpu.memory_space<vmem>>
    %dma_wait3A_253 = arith.constant 0 : i32
    %dma_wait3A_254 = tpu.memref_slice %arg4[%add3A_247, %dma_wait3A_253] : memref<204800x128xf32, #tpu.memory_space<hbm>> -> memref<128x128xf32, #tpu.memory_space<hbm>>
    %dma_wait3A_255 = arith.constant 0 : i32
    %dma_wait3A_256 = tpu.memref_slice %arg4[%add3A_247, %dma_wait3A_255] : memref<204800x128xf32, #tpu.memory_space<hbm>> -> memref<128x128xf32, #tpu.memory_space<hbm>>
    %dma_wait3A_257 = arith.constant 0 : i32
    %dma_wait3A_258 = arith.constant 0 : i32
    %dma_wait3A_259 = tpu.memref_slice %arg6[%dma_wait3A_248, %dma_wait3A_257, %dma_wait3A_258] : memref<5x128x128xf32, #tpu.memory_space<vmem>> -> memref<1x128x128xf32, #tpu.memory_space<vmem>>
    %dma_wait3A_260 = tpu.memref_squeeze %dma_wait3A_259 : memref<1x128x128xf32, #tpu.memory_space<vmem>> -> memref<128x128xf32, #tpu.memory_space<vmem>>
    tpu.wait_dma2 semaphore(%arg15 : memref<!tpu.dma_semaphore, #tpu.memory_space<semaphore_mem>>) src(%dma_wait3A_260 : memref<128x128xf32, #tpu.memory_space<vmem>>) dst(%dma_wait3A_256 : memref<128x128xf32, #tpu.memory_space<hbm>>)
    %add3A_261 = arith.constant 6272 : i32
    %add3A_262 = arith.addi %mul3A_2, %add3A_261 : i32
    %dma_wait3A_263 = arith.constant 4 : i32
    %dma_wait3A_264 = arith.constant 0 : i32
    %dma_wait3A_265 = arith.constant 0 : i32
    %dma_wait3A_266 = tpu.memref_slice %arg6[%dma_wait3A_263, %dma_wait3A_264, %dma_wait3A_265] : memref<5x128x128xf32, #tpu.memory_space<vmem>> -> memref<1x128x128xf32, #tpu.memory_space<vmem>>
    %dma_wait3A_267 = tpu.memref_squeeze %dma_wait3A_266 : memref<1x128x128xf32, #tpu.memory_space<vmem>> -> memref<128x128xf32, #tpu.memory_space<vmem>>
    %dma_wait3A_268 = arith.constant 0 : i32
    %dma_wait3A_269 = tpu.memref_slice %arg4[%add3A_262, %dma_wait3A_268] : memref<204800x128xf32, #tpu.memory_space<hbm>> -> memref<128x128xf32, #tpu.memory_space<hbm>>
    %dma_wait3A_270 = arith.constant 0 : i32
    %dma_wait3A_271 = tpu.memref_slice %arg4[%add3A_262, %dma_wait3A_270] : memref<204800x128xf32, #tpu.memory_space<hbm>> -> memref<128x128xf32, #tpu.memory_space<hbm>>
    %dma_wait3A_272 = arith.constant 0 : i32
    %dma_wait3A_273 = arith.constant 0 : i32
    %dma_wait3A_274 = tpu.memref_slice %arg6[%dma_wait3A_263, %dma_wait3A_272, %dma_wait3A_273] : memref<5x128x128xf32, #tpu.memory_space<vmem>> -> memref<1x128x128xf32, #tpu.memory_space<vmem>>
    %dma_wait3A_275 = tpu.memref_squeeze %dma_wait3A_274 : memref<1x128x128xf32, #tpu.memory_space<vmem>> -> memref<128x128xf32, #tpu.memory_space<vmem>>
    tpu.wait_dma2 semaphore(%arg16 : memref<!tpu.dma_semaphore, #tpu.memory_space<semaphore_mem>>) src(%dma_wait3A_275 : memref<128x128xf32, #tpu.memory_space<vmem>>) dst(%dma_wait3A_271 : memref<128x128xf32, #tpu.memory_space<hbm>>)
    return
  }
}

</mosaic_0001>

<sc_bundles>
// kernel: kernel.3.cloned.1.call-start
scs
__scs_entry_jumppad:
0x0: {  	(pc) =	sbr.rel $0x88, $3  }
0x1: {  	(tag) =	ssettag $0x0;
	lr =	simm.s32 $0x1  }
0x2: {  	[smem:$0x3F9F] =	sst lr;
	_ =	strace $0xD0000000  }
0x3: {  	_ = 	snop  }
0x4: {  	_ = 	snop  }
0x5: {  	_ = 	snop  }
0x6: {  	_ = 	snop  }
0x7: {  	_ = 	snop  }
__scs_overlays_trampoline_lowered:
0x8: {  	[smem:$0x3FAE] =	sst s0  }
0x9: {  	[smem:$0x3FAF] =	sst s1  }
0xa: {  	[smem:$0x3FB0] =	sst s2  }
0xb: {  	[smem:$0x3FB1] =	sst s3  }
0xc: {  	[smem:$0x3FB2] =	sst s4  }
0xd: {  	[smem:$0x3FB3] =	sst s5  }
0xe: {  	[smem:$0x3FB4] =	sst s6  }
0xf: {  	[smem:$0x3FB5] =	sst s7  }
0x10: {  	[smem:$0x3FB6] =	sst s8  }
0x11: {  	[smem:$0x3FB7] =	sst s9;
	s0 =	simm.s32 @!p0 $0x0  }
0x12: {  	s1 =	sld [smem:$0x3F9D];
	s0 =	simm.s32 @p0 $0x1  }
0x13: {  	[smem:$0x3FB8] =	sst s0;
	s0 =	simm.s32 @!p1 $0x0  }
0x14: {  	s2 =	sld [smem:$0x3F9C];
	s0 =	simm.s32 @p1 $0x1  }
0x15: {  	[smem:$0x3FB9] =	sst s0;
	s0 =	simm.s32 @!p2 $0x0  }
0x16: {  	s3 =	sld [smem:$0x3FDB];
	s0 =	simm.s32 @p2 $0x1  }
0x17: {  	s4 =	simm.s32 $0x1BF5;
	[smem:$0x3FBB] =	sst s0  }
0x18: {  	s0 =	sld [smem:$0x3F9E];
	_ =	swait.ge [sflag:s4], $0x0  }
0x19: {  	s7 =	sld [smem:$0x3F9F]  }
0x1a: {  	s8 =	sadd.s32 $0xFFFFE003, lr  }
0x1b: {  	s9 =	sadd.s32 $0xFFFFFEF7, lr;
	s5 =	simm.s32 $0xFFFFFFFF;
	p2 =	slt.u32 s8, $0xFFFFF086  }
0x1c: {  	p1 =	slt.u32 s9, $0xF7A;
	s5 =	simm.s32 @!p2 $0x0  }
0x1d: {  	s5 =	simm.s32 @p1 $0x1;
	p0 =	seq.s32 s7, s2  }
0x1e: {  	s7 =	smul.u32 @!p0 $0xF7A, s2;
	p2 =	seq.s32 @!p0 s5, $0x0  }
0x1f: {  	s9 =	smul.u32 $0xF7A, s1;
	s8 =	simm.s32 @!p0 $0x1BF5;
	p2 =	por !p2, p0  }
0x20: {  	[sflag:s8] =	ssyncset.s32 @!p0 $0xFFFFF086;
	s6 =	sadd.s32 @!p0 s3, s7;
	s7 =	simm.s32 @!p0 $0x108  }
0x21: {  	s3 =	sadd.s32 s3, s9;
	s6 =	sadd.s32 @!p0 $0x88, s6;
	s7 =	simm.s32 @p2 $0x1082  }
0x22: {  	[simem:s7], [sflag:s8] =	dma.local @!p0 [hbm:s6], $0xF7A  }
0x23: {  	s9 =	sor.u32 $0xD0000000, s2;
	s6 =	simm.s32 $0x108;
	_ =	swait.ge @!p0 [sflag:s8], $0x0  }
0x24: {  	s3 =	sadd.s32 $0x88, s3;
	s6 =	simm.s32 @!p1 $0x1082;
	[sflag:s4] =	ssyncset.s32 $0xFFFFF086  }
0x25: {  	[simem:s6], [sflag:s4] =	dma.local [hbm:s3], $0xF7A  }
0x26: {  	[smem:$0x3F9F] =	sst s1;
	(tag) =	ssettag s2;
	_ =	strace s9  }
0x27: {  	s1 =	sld [smem:$0x3FAF]  }
0x28: {  	s2 =	sld [smem:$0x3FB0]  }
0x29: {  	s4 =	sld [smem:$0x3FB2]  }
0x2a: {  	p0 =	seq.s32 s5, $0x0;
	s5 =	sld [smem:$0x3FB3]  }
0x2b: {  	s6 =	sld [smem:$0x3FB4]  }
0x2c: {  	s7 =	sld [smem:$0x3FB5]  }
0x2d: {  	s3 =	simm.s32 $0x108;
	s8 =	sld [smem:$0x3FB6]  }
0x2e: {  	s3 =	simm.s32 @!p0 $0x1082;
	s9 =	sld [smem:$0x3FB7]  }
0x2f: {  	lr =	sadd.s32 s0, s3;
	s0 =	sld [smem:$0x3FAE]  }
0x30: {  	s3 =	sld [smem:$0x3FB1]  }
0x31: {  	[smem:$0x3FBA] =	sst s10  }
0x32: {  	s10 =	sld [smem:$0x3FB8];
	_ =	sdelay $0x3  }
0x33: {  	p0 =	seq.s32 s10, $0x1;
	s10 =	sld [smem:$0x3FBA];
	_ =	sdelay $0x3  }
0x34: {  	[smem:$0x3FBA] =	sst s10  }
0x35: {  	s10 =	sld [smem:$0x3FB9];
	_ =	sdelay $0x3  }
0x36: {  	p1 =	seq.s32 s10, $0x1;
	s10 =	sld [smem:$0x3FBA];
	_ =	sdelay $0x3  }
0x37: {  	[smem:$0x3FBA] =	sst s10  }
0x38: {  	s10 =	sld [smem:$0x3FBB]  }
0x39: {  	_ = 	snop;
	(pc) =	sbr.ind lr, $3  }
0x3a: {  	_ = 	snop  }
0x3b: {  	_ = 	snop  }
0x3c: {  	p2 =	seq.s32 s10, $0x1;
	s10 =	sld [smem:$0x3FBA]  }
0x3d: {  	_ =	shalt  }
0x3e: {  	_ =	shalt  }
0x3f: {  	_ =	shalt  }
0x40: {  	_ =	shalt  }
0x41: {  	_ =	shalt  }
0x42: {  	_ =	shalt  }
0x43: {  	_ =	shalt  }
0x44: {  	_ =	shalt  }
0x45: {  	_ =	shalt  }
0x46: {  	_ =	shalt  }
0x47: {  	_ =	shalt  }
0x48: {  	_ =	shalt  }
0x49: {  	_ =	shalt  }
0x4a: {  	_ =	shalt  }
0x4b: {  	_ =	shalt  }
0x4c: {  	_ =	shalt  }
0x4d: {  	_ =	shalt  }
0x4e: {  	_ =	shalt  }
0x4f: {  	_ =	shalt  }
0x50: {  	_ =	shalt  }
0x51: {  	_ =	shalt  }
0x52: {  	_ =	shalt  }
0x53: {  	_ =	shalt  }
0x54: {  	_ =	shalt  }
0x55: {  	_ =	shalt  }
0x56: {  	_ =	shalt  }
0x57: {  	_ =	shalt  }
0x58: {  	_ =	shalt  }
0x59: {  	_ =	shalt  }
0x5a: {  	_ =	shalt  }
0x5b: {  	_ =	shalt  }
0x5c: {  	_ =	shalt  }
0x5d: {  	_ =	shalt  }
0x5e: {  	_ =	shalt  }
0x5f: {  	_ =	shalt  }
0x60: {  	_ =	shalt  }
0x61: {  	_ =	shalt  }
0x62: {  	_ =	shalt  }
0x63: {  	_ =	shalt  }
0x64: {  	_ =	shalt  }
0x65: {  	_ =	shalt  }
0x66: {  	_ =	shalt  }
0x67: {  	_ =	shalt  }
0x68: {  	_ =	shalt  }
0x69: {  	_ =	shalt  }
0x6a: {  	_ =	shalt  }
0x6b: {  	_ =	shalt  }
0x6c: {  	_ =	shalt  }
0x6d: {  	_ =	shalt  }
0x6e: {  	_ =	shalt  }
0x6f: {  	_ =	shalt  }
0x70: {  	_ =	shalt  }
0x71: {  	_ =	shalt  }
0x72: {  	_ =	shalt  }
0x73: {  	_ =	shalt  }
0x74: {  	_ =	shalt  }
0x75: {  	_ =	shalt  }
0x76: {  	_ =	shalt  }
0x77: {  	_ =	shalt  }
0x78: {  	_ =	shalt  }
0x79: {  	_ =	shalt  }
0x7a: {  	_ =	shalt  }
0x7b: {  	_ =	shalt  }
0x7c: {  	_ =	shalt  }
0x7d: {  	_ =	shalt  }
0x7e: {  	_ =	shalt  }
0x7f: {  	_ =	shalt  }
0x80: {  	_ =	shalt  }
0x81: {  	_ =	shalt  }
0x82: {  	_ =	shalt  }
0x83: {  	_ =	shalt  }
0x84: {  	_ =	shalt  }
0x85: {  	_ =	shalt  }
0x86: {  	_ =	shalt  }
0x87: {  	_ =	shalt  }
.Lfunc_end0:
.L_simem_size_0:
called_computation.1_lowered:
.L_overlay_start_0:
0x88: {  	s2 =	sld [smem:$0x3FD9]  }
0x89: {  	s3 =	sld [smem:$0x3FFE];
	_ =	sdelay $0x1  }
0x8a: {  	s1 =	srdreg.scid  }
0x8b: {  	s0 =	sand.u32 $0x1, s1  }
0x8c: {  	s17 =	sshll.u32 s0, $0xA;
	s2 =	sadd.s32 s3, s2  }
0x8d: {  	s2 =	sadd.s32 s2, s17  }
0x8e: {  	[smem:$0x3FC6] =	sst s2  }
0x8f: {  	_ = 	snop  }
0x90: {  	s2 =	sld [smem:$0x3FC9]  }
0x91: {  	s18 =	sld [smem:$0x3FD0];
	(tm) =	ssettm $0x1  }
0x92: {  	s4 =	sld [smem:$0x3FFB];
	_ =	sdelay $0x3  }
0x93: {  	_ =	strace s4  }
0x94: {  	s4 =	sld [smem:$0x3FFC];
	_ =	sdelay $0x3  }
0x95: {  	_ =	strace s4  }
0x96: {  	s4 =	sld [smem:$0x3FFD];
	_ =	sdelay $0x3  }
0x97: {  	_ =	strace s4  }
0x98: {  	_ =	strace $0x8FFFFFFF  }
0x99: {  	s19 =	sld [smem:$0x3FDB];
	_ =	sdelay $0x1  }
0x9a: {  	s5 =	simm.s32 $_scs_section_size  }
0x9b: {  	s6 =	simm.s32 $_size__tile_overlayer_lowered;
	s7 =	simm.s32 $_tile_overlayer_lowered  }
0x9c: {  	s22 =	simm.s32 $0x1BFF;
	s21 =	sshll.u32 s7, $0x1;
	s4 =	sadd.s32 s5, s19  }
0x9d: {  	s8 =	simm.s32 $0x0;
	s20 =	sshll.u32 s6, $0x1;
	s6 =	sadd.s32 s21, s4  }
0x9e: {  	[timem:s8], [sflag:s22] =	dma.local [hbm:s6], s20  }
0x9f: {  	_ =	swait.ge [sflag:s22], s20  }
0xa0: {  	s5 =	ssub.s32 $0x0, s20;
	[sflag:s22] =	ssyncset.done $0x0  }
0xa1: {  	[sflag:s22] =	ssyncadd.s32 s5;
	_ =	sdelay $0x1  }
0xa2: {  	s23 =	simm.s32 $0x1B8B  }
0xa3: {  	_ =	swait.ge [sflag:s23], $0x1  }
0xa4: {  	[sflag:s23] =	ssyncset.done $0x0  }
0xa5: {  	s25 =	simm.s32 $0x1B8E;
	s24 =	sld [smem:$0x3FFE];
	[sflag:s23] =	ssyncadd.s32 $0xFFFFFFFF  }
0xa6: {  	s26 =	simm.s32 $execute0_lowered;
	[smem:$0x3FD2] =	sst s25  }
0xa7: {  	s6 =	sshll.u32 s26, $0x1;
	_ =	strace $0x80000046;
	[dreg:$0x1] =	wrdreg $0xFFFFFFFF  }
0xa8: {  	s28 =	simm.s32 $_size_execute0_lowered;
	s4 =	sadd.s32 s4, s6;
	[dreg:$0x0] =	wrdreg $0x0  }
0xa9: {  	s6 =	sshll.u32 s28, $0x1;
	[dreg:$0x2] =	wrdreg s4  }
0xaa: {  	[dreg:$0x3] =	wrdreg s6  }
0xab: {  	[dreg:$0x4] =	wrdreg $0xC0  }
0xac: {  	_ =	task [dreg:s8], $0x5FFFF  }
0xad: {  	[dreg:$0x1] =	wrdreg $0xFFFFFFFF  }
0xae: {  	[dreg:$0x0] =	wrdreg $0x60  }
0xaf: {  	[dreg:$0x2] =	wrdreg s2  }
0xb0: {  	[dreg:$0x3] =	wrdreg s24  }
0xb1: {  	[dreg:$0x4] =	wrdreg s18  }
0xb2: {  	[dreg:$0x5] =	wrdreg $0x9  }
0xb3: {  	_ =	task.clear_ibuf [dreg:s8], $0x6FFFF;
	_ =	strace $0x90000046  }
0xb4: {  	s29 =	simm.s32 $0x9;
	_ =	strace $0x80000048  }
0xb5: {  	_ =	swait.ge [sflag:s29], $0x1  }
0xb6: {  	[sflag:s29] =	ssyncadd.s32 $0xFFFFFFFF  }
0xb7: {  	_ =	strace $0x90000048  }
0xb8: {  	_ =	sfence  }
0xb9: {  	s30 =	sld [smem:$0x0];
	_ =	sdelay $0x2  }
0xba: {  	s31 =	sshll.u32 s1, $0xD;
	s1 =	sshrl.u32 s1, $0x2  }
0xbb: {  	s3 =	sand.u32 $0x4000, s31;
	s1 =	sadd.s32 s1, s30  }
0xbc: {  	s0 =	sor.u32 s3, s0;
	s1 =	sshll.u32 s1, $0x11  }
0xbd: {  	s0 =	sor.u32 s1, s0  }
0xbe: {  	s0 =	sadd.s32 $0x8F2B, s0  }
0xbf: {  	[sflag:s0] =	ssyncadd.remote.s32 $0x1  }
0xc0: {  	_ =	sfence.sel $0xFFFF  }
0xc1: {  	[dreg:$0x0] =	wrdreg $0xFFFFFFFF;
	(pc) =	sbr.abs _section_cstart, $3  }
0xc2: {  	[dreg:$0x1] =	wrdreg $0xFFFFFFFF  }
0xc3: {  	_ =	task.clear_ibuf [dreg:s8], $0x2FFFF;
	_ =	strace $0x9FFFFFFF  }
0xc4: {  	(tm) =	ssettm $0x7FFFFFFF  }
0xc5: {  	_ =	shalt  }
tec
execute0_lowered:
.L_overlay_start_1:
0x0: {  	(tag) =	ssettag $0x1  }
0x1: {  	s1 =	rddreg [dreg:$0x0]  }
0x2: {  	s0 =	srdreg.scid;
	s2 =	rddreg [dreg:$0x1]  }
0x3: {  	s8 =	stileid.u32;
	s7 =	rddreg [dreg:$0x2]  }
0x4: {  	s12 =	simm.s32 $0xB;
	s13 =	simm.s32 $0x80;
	s14 =	simm.s32 $0x1C00  }
0x5: {  	s15 =	simm.s32 $0x5C00;
	s17 =	simm.s32 $0x9C00;
	s19 =	simm.s32 $0xDC00  }
0x6: {  	s21 =	simm.s32 $0x11C00;
	s22 =	simm.s32 $0x1;
	s23 =	simm.s32 $0x2  }
0x7: {  	s28 =	simm.s32 $0x6;
	s29 =	simm.s32 $0x7;
	s30 =	simm.s32 $0x8  }
0x8: {  	s0 =	sand.u32 $0x1, s0;
	s3 =	sshll.u32 s8, $0x1;
	s8 =	smul.u32 $0x32000, s8  }
0x9: {  	s4 =	sor.u32 s0, s3;
	s6 =	ssub.s32 $0x2, s0;
	s0 =	smul.u32 $0x19000, s0  }
0xa: {  	s31 =	simm.s32 $0x9;
	s3 =	simm.s32 $0x0;
	s5 =	smul.u32 $0x380, s4  }
0xb: {  	[smem:$0x7FF] =	sst s3;
	s4 =	smul.u32 $0xC8000, s4;
	s24 =	sshrl.u32 s6, $0x1  }
0xc: {  	s9 =	sadd.s32 s8, s7;
	_ =	strace $0x80000047;
	s10 =	ssub.s32 s6, s24  }
0xd: {  	s0 =	sadd.s32 s0, s9;
	s24 =	simm.s32 $0x3;
	s2 =	sadd.s32 s5, s2  }
0xe: {  	s25 =	sshrl.u32 s4, $0x3;
	s10 =	smax.u32 s10, $0x1;
	s11 =	sadd.s32 $0x2000, s0  }
0xf: {  	s0 =	simm.s32 $0x0;
	s2 =	sadd.s32 $0x800, s2;
	s26 =	sadd.s32 s7, s25  }
0x10: {  	s25 =	simm.s32 $0x4;
	[dreg:$0x4] =	wrdreg s2;
	s5 =	sadd.s32 $0x16800, s26  }
0x11: {  	s6 =	sadd.s32 $0x17000, s26;
	s7 =	sadd.s32 $0x17800, s26;
	s8 =	sadd.s32 $0x18000, s26  }
0x12: {  	s9 =	sadd.s32 $0x18800, s26;
	s26 =	simm.s32 $0x5;
	s2 =	simm.s32 $0xA  }
.LBB2_1:
0x13: {  	s4 =	rddreg [dreg:$0x4]  }
0x14: {  	[tilespmem:s3], [sflag:$0xB] =	stream.linear.gather [hbm4b:s4+s3], $0x1900, $0x38;
	[tilespmem:$0x15C00] =	vst v63  }
0x15: {  	_ =	swait.ge [sflag:s12], $0x1900  }
0x16: {  	[sflag:s12] =	ssyncset.done $0x0  }
0x17: {  	[sflag:s12] =	ssyncadd.s32 $0xFFFFE700  }
0x18: {  	[tilespmem:s14], [sflag:$0x1] =	stream.indirect.gather [hbm4b:s1+s13], $0x80, s3, s13, $0xb8;
	[tilespmem:$0x15C00] =	vst v63  }
0x19: {  	_ = 	snop  }
0x1a: {  	[tilespmem:s15], [sflag:$0x2] =	stream.indirect.gather [hbm4b:s1+s13], $0x80, s13, s13, $0xb8;
	[tilespmem:$0x15C00] =	vst v63  }
0x1b: {  	s20 =	simm.s32 $0x100  }
0x1c: {  	[tilespmem:s17], [sflag:$0x3] =	stream.indirect.gather [hbm4b:s1+s13], $0x80, s20, s13, $0xb8;
	[tilespmem:$0x15C00] =	vst v63  }
0x1d: {  	s16 =	simm.s32 $0x180  }
0x1e: {  	[tilespmem:s19], [sflag:$0x4] =	stream.indirect.gather [hbm4b:s1+s13], $0x80, s16, s13, $0xb8;
	[tilespmem:$0x15C00] =	vst v63  }
0x1f: {  	s18 =	simm.s32 $0x200  }
0x20: {  	[tilespmem:s21], [sflag:$0x5] =	stream.indirect.gather [hbm4b:s1+s13], $0x80, s18, s13, $0xb8;
	[tilespmem:$0x15C00] =	vst v63  }
0x21: {  	_ =	swait.ge [sflag:s22], $0x4000  }
0x22: {  	[sflag:s22] =	ssyncset.done $0x0  }
0x23: {  	s16 =	sadd.s32 $0xFFFFE000, s11;
	[sflag:s22] =	ssyncadd.s32 $0xFFFFC000  }
0x24: {  	[hbm4b:s16+s3] =	stream.linear.scatter [tilespmem:s14], [sflag:$0x6], $0x4000, $0x38;
	[tilespmem:$0x15C00] =	vst v63  }
0x25: {  	_ =	swait.ge [sflag:s23], $0x4000  }
0x26: {  	[sflag:s23] =	ssyncset.done $0x0  }
0x27: {  	s20 =	sadd.s32 $0xFFFFE800, s11;
	[sflag:s23] =	ssyncadd.s32 $0xFFFFC000  }
0x28: {  	[hbm4b:s20+s3] =	stream.linear.scatter [tilespmem:s15], [sflag:$0x7], $0x4000, $0x38;
	[tilespmem:$0x15C00] =	vst v63  }
0x29: {  	_ =	swait.ge [sflag:s24], $0x4000  }
0x2a: {  	[sflag:s24] =	ssyncset.done $0x0  }
0x2b: {  	s4 =	sadd.s32 $0xFFFFF000, s11;
	[sflag:s24] =	ssyncadd.s32 $0xFFFFC000  }
0x2c: {  	[hbm4b:s4+s3] =	stream.linear.scatter [tilespmem:s17], [sflag:$0x8], $0x4000, $0x38;
	[tilespmem:$0x15C00] =	vst v63  }
0x2d: {  	_ =	swait.ge [sflag:s25], $0x4000  }
0x2e: {  	[sflag:s25] =	ssyncset.done $0x0  }
0x2f: {  	s18 =	sadd.s32 $0xFFFFF800, s11;
	[sflag:s25] =	ssyncadd.s32 $0xFFFFC000  }
0x30: {  	[hbm4b:s18+s3] =	stream.linear.scatter [tilespmem:s19], [sflag:$0x9], $0x4000, $0x38;
	[tilespmem:$0x15C00] =	vst v63  }
0x31: {  	_ =	swait.ge [sflag:s26], $0x4000  }
0x32: {  	[sflag:s26] =	ssyncset.done $0x0  }
0x33: {  	[sflag:s26] =	ssyncadd.s32 $0xFFFFC000  }
0x34: {  	[hbm4b:s11+s3] =	stream.linear.scatter [tilespmem:s21], [sflag:$0xA], $0x4000, $0x38;
	[tilespmem:$0x15C00] =	vst v63  }
0x35: {  	_ =	swait.ge [sflag:s28], $0x4000  }
0x36: {  	[sflag:s28] =	ssyncset.done $0x0  }
0x37: {  	s20 =	simm.s32 $0x280;
	[sflag:s28] =	ssyncadd.s32 $0xFFFFC000  }
0x38: {  	[tilespmem:s14], [sflag:$0x1] =	stream.indirect.gather [hbm4b:s1+s13], $0x80, s20, s13, $0xb8;
	[tilespmem:$0x15C00] =	vst v63  }
0x39: {  	_ =	swait.ge [sflag:s29], $0x4000  }
0x3a: {  	[sflag:s29] =	ssyncset.done $0x0  }
0x3b: {  	s4 =	simm.s32 $0x300;
	[sflag:s29] =	ssyncadd.s32 $0xFFFFC000  }
0x3c: {  	[tilespmem:s15], [sflag:$0x2] =	stream.indirect.gather [hbm4b:s1+s13], $0x80, s4, s13, $0xb8;
	[tilespmem:$0x15C00] =	vst v63  }
0x3d: {  	_ =	swait.ge [sflag:s30], $0x4000  }
0x3e: {  	[sflag:s30] =	ssyncset.done $0x0  }
0x3f: {  	s18 =	simm.s32 $0x380;
	[sflag:s30] =	ssyncadd.s32 $0xFFFFC000  }
0x40: {  	[tilespmem:s17], [sflag:$0x3] =	stream.indirect.gather [hbm4b:s1+s13], $0x80, s18, s13, $0xb8;
	[tilespmem:$0x15C00] =	vst v63  }
0x41: {  	_ =	swait.ge [sflag:s31], $0x4000  }
0x42: {  	[sflag:s31] =	ssyncset.done $0x0  }
0x43: {  	s20 =	simm.s32 $0x400;
	[sflag:s31] =	ssyncadd.s32 $0xFFFFC000  }
0x44: {  	[tilespmem:s19], [sflag:$0x4] =	stream.indirect.gather [hbm4b:s1+s13], $0x80, s20, s13, $0xb8;
	[tilespmem:$0x15C00] =	vst v63  }
0x45: {  	_ =	swait.ge [sflag:s2], $0x4000  }
0x46: {  	s16 =	simm.s32 $0xA00;
	[sflag:s2] =	ssyncset.done $0x0  }
0x47: {  	s18 =	sadd.s32 $0x2800, s11;
	s20 =	simm.s32 $0x480;
	[sflag:s2] =	ssyncadd.s32 $0xFFFFC000  }
.LBB2_2:
0x48: {  	[tilespmem:s21], [sflag:$0x5] =	stream.indirect.gather [hbm4b:s1+s13], $0x80, s20, s13, $0xb8;
	[tilespmem:$0x15C00] =	vst v63  }
0x49: {  	s20 =	smov.u32 s16  }
0x4a: {  	p0 =	sne.s32 s16, $0x5000;
	s16 =	sadd.s32 $0xA00, s16;
	_ =	swait.ge [sflag:s22], $0x4000  }
0x4b: {  	[sflag:s22] =	ssyncset.done $0x0  }
0x4c: {  	s4 =	sadd.s32 $0xFFFFE000, s18;
	[sflag:s22] =	ssyncadd.s32 $0xFFFFC000  }
0x4d: {  	[hbm4b:s4+s3] =	stream.linear.scatter [tilespmem:s14], [sflag:$0x6], $0x4000, $0x38;
	[tilespmem:$0x15C00] =	vst v63  }
0x4e: {  	_ =	swait.ge [sflag:s23], $0x4000  }
0x4f: {  	[sflag:s23] =	ssyncset.done $0x0  }
0x50: {  	s4 =	sadd.s32 $0xFFFFE800, s18;
	[sflag:s23] =	ssyncadd.s32 $0xFFFFC000  }
0x51: {  	[hbm4b:s4+s3] =	stream.linear.scatter [tilespmem:s15], [sflag:$0x7], $0x4000, $0x38;
	[tilespmem:$0x15C00] =	vst v63  }
0x52: {  	_ =	swait.ge [sflag:s24], $0x4000  }
0x53: {  	[sflag:s24] =	ssyncset.done $0x0  }
0x54: {  	s4 =	sadd.s32 $0xFFFFF000, s18;
	[sflag:s24] =	ssyncadd.s32 $0xFFFFC000  }
0x55: {  	[hbm4b:s4+s3] =	stream.linear.scatter [tilespmem:s17], [sflag:$0x8], $0x4000, $0x38;
	[tilespmem:$0x15C00] =	vst v63  }
0x56: {  	_ =	swait.ge [sflag:s25], $0x4000  }
0x57: {  	[sflag:s25] =	ssyncset.done $0x0  }
0x58: {  	s4 =	sadd.s32 $0xFFFFF800, s18;
	[sflag:s25] =	ssyncadd.s32 $0xFFFFC000  }
0x59: {  	[hbm4b:s4+s3] =	stream.linear.scatter [tilespmem:s19], [sflag:$0x9], $0x4000, $0x38;
	[tilespmem:$0x15C00] =	vst v63  }
0x5a: {  	_ =	swait.ge [sflag:s26], $0x4000  }
0x5b: {  	[sflag:s26] =	ssyncset.done $0x0  }
0x5c: {  	[sflag:s26] =	ssyncadd.s32 $0xFFFFC000  }
0x5d: {  	[hbm4b:s18+s3] =	stream.linear.scatter [tilespmem:s21], [sflag:$0xA], $0x4000, $0x38;
	[tilespmem:$0x15C00] =	vst v63  }
0x5e: {  	_ =	swait.ge [sflag:s28], $0x4000  }
0x5f: {  	s4 =	sshra.s32 s20, $0x2;
	[sflag:s28] =	ssyncset.done $0x0  }
0x60: {  	s20 =	sadd.s32 $0x280, s4;
	[sflag:s28] =	ssyncadd.s32 $0xFFFFC000  }
0x61: {  	[tilespmem:s14], [sflag:$0x1] =	stream.indirect.gather [hbm4b:s1+s13], $0x80, s20, s13, $0xb8;
	[tilespmem:$0x15C00] =	vst v63  }
0x62: {  	_ =	swait.ge [sflag:s29], $0x4000  }
0x63: {  	[sflag:s29] =	ssyncset.done $0x0  }
0x64: {  	s20 =	sadd.s32 $0x300, s4;
	[sflag:s29] =	ssyncadd.s32 $0xFFFFC000  }
0x65: {  	[tilespmem:s15], [sflag:$0x2] =	stream.indirect.gather [hbm4b:s1+s13], $0x80, s20, s13, $0xb8;
	[tilespmem:$0x15C00] =	vst v63  }
0x66: {  	_ =	swait.ge [sflag:s30], $0x4000  }
0x67: {  	[sflag:s30] =	ssyncset.done $0x0  }
0x68: {  	s20 =	sadd.s32 $0x380, s4;
	[sflag:s30] =	ssyncadd.s32 $0xFFFFC000  }
0x69: {  	[tilespmem:s17], [sflag:$0x3] =	stream.indirect.gather [hbm4b:s1+s13], $0x80, s20, s13, $0xb8;
	[tilespmem:$0x15C00] =	vst v63  }
0x6a: {  	_ =	swait.ge [sflag:s31], $0x4000  }
0x6b: {  	[sflag:s31] =	ssyncset.done $0x0  }
.Ltmp0:
0x6c: {  	s20 =	sadd.s32 $0x400, s4;
	[sflag:s31] =	ssyncadd.s32 $0xFFFFC000;
	(pc) =	sbr.rel @p0 .LBB2_2-.Ltmp0, $4  }
0x6d: {  	[tilespmem:s19], [sflag:$0x4] =	stream.indirect.gather [hbm4b:s1+s13], $0x80, s20, s13, $0xb8;
	[tilespmem:$0x15C00] =	vst v63  }
0x6e: {  	_ =	swait.ge [sflag:s2], $0x4000  }
0x6f: {  	[sflag:s2] =	ssyncset.done $0x0  }
0x70: {  	s18 =	sadd.s32 $0x2800, s18;
	s20 =	sadd.s32 $0x480, s4;
	[sflag:s2] =	ssyncadd.s32 $0xFFFFC000  }
0x71: {  	[tilespmem:s21], [sflag:$0x5] =	stream.indirect.gather [hbm4b:s1+s13], $0x80, s20, s13, $0xb8;
	[tilespmem:$0x15C00] =	vst v63  }
0x72: {  	_ =	swait.ge [sflag:s22], $0x4000  }
0x73: {  	[sflag:s22] =	ssyncset.done $0x0  }
0x74: {  	[sflag:s22] =	ssyncadd.s32 $0xFFFFC000  }
0x75: {  	[hbm4b:s5+s3] =	stream.linear.scatter [tilespmem:s14], [sflag:$0x6], $0x4000, $0x38;
	[tilespmem:$0x15C00] =	vst v63  }
0x76: {  	_ =	swait.ge [sflag:s23], $0x4000  }
0x77: {  	[sflag:s23] =	ssyncset.done $0x0  }
0x78: {  	[sflag:s23] =	ssyncadd.s32 $0xFFFFC000  }
0x79: {  	[hbm4b:s6+s3] =	stream.linear.scatter [tilespmem:s15], [sflag:$0x7], $0x4000, $0x38;
	[tilespmem:$0x15C00] =	vst v63  }
0x7a: {  	_ =	swait.ge [sflag:s24], $0x4000  }
0x7b: {  	[sflag:s24] =	ssyncset.done $0x0  }
0x7c: {  	[sflag:s24] =	ssyncadd.s32 $0xFFFFC000  }
0x7d: {  	[hbm4b:s7+s3] =	stream.linear.scatter [tilespmem:s17], [sflag:$0x8], $0x4000, $0x38;
	[tilespmem:$0x15C00] =	vst v63  }
0x7e: {  	_ =	swait.ge [sflag:s25], $0x4000  }
0x7f: {  	[sflag:s25] =	ssyncset.done $0x0  }
0x80: {  	[sflag:s25] =	ssyncadd.s32 $0xFFFFC000  }
0x81: {  	[hbm4b:s8+s3] =	stream.linear.scatter [tilespmem:s19], [sflag:$0x9], $0x4000, $0x38;
	[tilespmem:$0x15C00] =	vst v63  }
0x82: {  	_ =	swait.ge [sflag:s26], $0x4000  }
0x83: {  	[sflag:s26] =	ssyncset.done $0x0  }
0x84: {  	[sflag:s26] =	ssyncadd.s32 $0xFFFFC000  }
0x85: {  	[hbm4b:s9+s3] =	stream.linear.scatter [tilespmem:s21], [sflag:$0xA], $0x4000, $0x38;
	[tilespmem:$0x15C00] =	vst v63  }
0x86: {  	_ =	swait.ge [sflag:s28], $0x4000  }
0x87: {  	[sflag:s28] =	ssyncset.done $0x0  }
0x88: {  	[sflag:s28] =	ssyncadd.s32 $0xFFFFC000  }
0x89: {  	_ =	swait.ge [sflag:s29], $0x4000  }
0x8a: {  	[sflag:s29] =	ssyncset.done $0x0  }
0x8b: {  	[sflag:s29] =	ssyncadd.s32 $0xFFFFC000  }
0x8c: {  	_ =	swait.ge [sflag:s30], $0x4000  }
0x8d: {  	[sflag:s30] =	ssyncset.done $0x0  }
0x8e: {  	s0 =	sadd.s32 $0x1, s0;
	[sflag:s30] =	ssyncadd.s32 $0xFFFFC000  }
0x8f: {  	p0 =	sne.s32 s0, s10;
	_ =	swait.ge [sflag:s31], $0x4000  }
.Ltmp1:
0x90: {  	[sflag:s31] =	ssyncset.done $0x0;
	(pc) =	sbr.rel @p0 .LBB2_1-.Ltmp1, $4  }
0x91: {  	[sflag:s31] =	ssyncadd.s32 $0xFFFFC000  }
0x92: {  	_ =	swait.ge [sflag:s2], $0x4000  }
0x93: {  	[sflag:s2] =	ssyncset.done $0x0  }
0x94: {  	[sflag:s2] =	ssyncadd.s32 $0xFFFFC000  }
0x95: {  	_ =	sfence.sel $0x180000  }
0x96: {  	[bflag:$0x0] =	sbarrier.arrive $0xFFFF  }
0x97: {  	_ =	strace $0x90000047  }
0x98: {  	s0 =	stileid.u32;
	[bflag:$0x2] =	sbarrier.arrive $0xFFFF  }
0x99: {  	p0 =	sne.s32 s0, $0x0;
	s0 =	rddreg [dreg:$0x3]  }
0x9a: {  	s0 =	sadd.s32 @!p0 $0x100000, s0  }
0x9b: {  	[sflag:s0] =	ssyncadd.tile.s32 @!p0 $0x1;
	_ =	shalt  }
.Lfunc_end2:
_tile_overlayer_lowered:
.L_overlay_start_2:
0x9c: {  	(tag) =	ssettag $0x2  }
0x9d: {  	s0 =	rddreg [dreg:$0x0];
	s2 =	stileid.u32  }
0x9e: {  	s1 =	rddreg [dreg:$0x1];
	p0 =	sne.s32 s2, $0x0  }
0x9f: {  	s3 =	rddreg [dreg:$0x2];
	[bflag:$0x3] =	sbarrier.arrive $0xFFFF;
	s2 =	simm.s32 @!p0 $0x1C0B  }
0xa0: {  	[timem:s3], [sflag:s2] =	dma.local @!p0 [hbm:s0], s1  }
0xa1: {  	s0 =	simm.s32 @!p0 $0xB  }
0xa2: {  	_ =	swait.ge @!p0 [sflag:s0], s1  }
0xa3: {  	s1 =	ssub.s32 @!p0 $0x0, s1;
	[sflag:s0] =	ssyncset.done @!p0 $0x0  }
0xa4: {  	[sflag:s0] =	ssyncadd.s32 @!p0 s1  }
0xa5: {  	[bflag:$0x3] =	sbarrier.arrive $0xFFFF  }
0xa6: {  	_ =	shalt  }

// kernel: sparse-core-data-format-call.cloned.1.call-start
scs
called_computation_lowered:
.L_overlay_start_0:
0x0: {  	s2 =	sld [smem:$0x3FD9]  }
0x1: {  	s3 =	sld [smem:$0x3FFE];
	_ =	sdelay $0x1  }
0x2: {  	s1 =	srdreg.scid  }
0x3: {  	s0 =	sand.u32 $0x1, s1  }
0x4: {  	s18 =	sshll.u32 s0, $0xA;
	s2 =	sadd.s32 s3, s2  }
0x5: {  	s2 =	sadd.s32 s2, s18  }
0x6: {  	[smem:$0x3FC6] =	sst s2  }
0x7: {  	_ = 	snop  }
0x8: {  	s2 =	sld [smem:$0x3FD0];
	(tm) =	ssettm $0x1  }
0x9: {  	s19 =	sld [smem:$0x3FFB];
	_ =	sdelay $0x3  }
0xa: {  	_ =	strace s19  }
0xb: {  	s3 =	sld [smem:$0x3FFC];
	_ =	sdelay $0x3  }
0xc: {  	_ =	strace s3  }
0xd: {  	s3 =	sld [smem:$0x3FFD];
	_ =	sdelay $0x3  }
0xe: {  	_ =	strace s3  }
0xf: {  	_ =	strace $0x8FFFFFFF  }
0x10: {  	s20 =	sld [smem:$0x3FDB];
	_ =	sdelay $0x1  }
0x11: {  	s4 =	simm.s32 $_scs_section_size  }
0x12: {  	s5 =	simm.s32 $_size__tile_overlayer_lowered;
	s6 =	simm.s32 $_tile_overlayer_lowered  }
0x13: {  	s23 =	simm.s32 $0x1BFF;
	s22 =	sshll.u32 s6, $0x1;
	s3 =	sadd.s32 s4, s20  }
0x14: {  	s7 =	simm.s32 $0x0;
	s21 =	sshll.u32 s5, $0x1;
	s5 =	sadd.s32 s22, s3  }
0x15: {  	[timem:s7], [sflag:s23] =	dma.local [hbm:s5], s21  }
0x16: {  	_ =	swait.ge [sflag:s23], s21  }
0x17: {  	s4 =	ssub.s32 $0x0, s21;
	[sflag:s23] =	ssyncset.done $0x0  }
0x18: {  	[sflag:s23] =	ssyncadd.s32 s4;
	_ =	sdelay $0x1  }
0x19: {  	s24 =	simm.s32 $0x1B8B  }
0x1a: {  	_ =	swait.ge [sflag:s24], $0x1  }
0x1b: {  	[sflag:s24] =	ssyncset.done $0x0  }
0x1c: {  	s26 =	simm.s32 $0x1B8E;
	s25 =	sld [smem:$0x3FFE];
	[sflag:s24] =	ssyncadd.s32 $0xFFFFFFFF  }
0x1d: {  	s27 =	simm.s32 $execute0_lowered;
	[smem:$0x3FD2] =	sst s26  }
0x1e: {  	s5 =	sshll.u32 s27, $0x1;
	_ =	strace $0x80000049;
	[dreg:$0x1] =	wrdreg $0xFFFFFFFF  }
0x1f: {  	s28 =	simm.s32 $_size_execute0_lowered;
	s3 =	sadd.s32 s3, s5;
	[dreg:$0x0] =	wrdreg $0x0  }
0x20: {  	s5 =	sshll.u32 s28, $0x1;
	[dreg:$0x2] =	wrdreg s3  }
0x21: {  	[dreg:$0x3] =	wrdreg s5  }
0x22: {  	[dreg:$0x4] =	wrdreg $0xC0  }
0x23: {  	_ =	task [dreg:s7], $0x5FFFF  }
0x24: {  	[dreg:$0x1] =	wrdreg $0xFFFFFFFF  }
0x25: {  	[dreg:$0x0] =	wrdreg $0x60  }
0x26: {  	[dreg:$0x2] =	wrdreg s25  }
0x27: {  	[dreg:$0x3] =	wrdreg s2  }
0x28: {  	[dreg:$0x4] =	wrdreg $0x9  }
0x29: {  	_ =	task.clear_ibuf [dreg:s7], $0x5FFFF;
	_ =	strace $0x90000049  }
0x2a: {  	s29 =	simm.s32 $0x9;
	_ =	strace $0x8000004B  }
0x2b: {  	_ =	swait.ge [sflag:s29], $0x1  }
0x2c: {  	[sflag:s29] =	ssyncadd.s32 $0xFFFFFFFF  }
0x2d: {  	_ =	strace $0x9000004B  }
0x2e: {  	_ =	sfence  }
0x2f: {  	s30 =	sld [smem:$0x0];
	_ =	sdelay $0x2  }
0x30: {  	s31 =	sshll.u32 s1, $0xD;
	s1 =	sshrl.u32 s1, $0x2  }
0x31: {  	s3 =	sand.u32 $0x4000, s31;
	s1 =	sadd.s32 s1, s30  }
0x32: {  	s0 =	sor.u32 s3, s0;
	s1 =	sshll.u32 s1, $0x11  }
0x33: {  	s0 =	sor.u32 s1, s0  }
0x34: {  	s0 =	sadd.s32 $0x8F2B, s0  }
0x35: {  	[sflag:s0] =	ssyncadd.remote.s32 $0x1  }
0x36: {  	_ =	sfence.sel $0xFFFF  }
0x37: {  	[dreg:$0x0] =	wrdreg $0xFFFFFFFF;
	(pc) =	sbr.abs _section_cstart, $3  }
0x38: {  	[dreg:$0x1] =	wrdreg $0xFFFFFFFF  }
0x39: {  	_ =	task.clear_ibuf [dreg:s7], $0x2FFFF;
	_ =	strace $0x9FFFFFFF  }
0x3a: {  	(tm) =	ssettm $0x7FFFFFFF  }
0x3b: {  	_ =	shalt  }
tec
execute0_lowered:
.L_overlay_start_1:
0x0: {  	(tag) =	ssettag $0x1  }
0x1: {  	s0 =	srdreg.scid  }
0x2: {  	s1 =	sshll.u32 s0, $0x4  }
0x3: {  	s0 =	stileid.u32;
	s1 =	sand.u32 $0x10, s1  }
0x4: {  	s1 =	sor.u32 s0, s1  }
0x5: {  	s6 =	rddreg [dreg:$0x0];
	s4 =	simm.s32 $0x1;
	s2 =	sshll.u32 s1, $0x6  }
0x6: {  	s7 =	simm.s32 $0x2;
	s13 =	simm.s32 $0x0;
	s1 =	ssub.s32 $0x1000, s2  }
0x7: {  	s8 =	simm.s32 $0x2000;
	s9 =	simm.s32 $0x80000;
	s3 =	sand.u32 $0x7C0, s1  }
0x8: {  	s14 =	simm.s32 $0x0;
	s5 =	sshrl.u32 s1, $0xB;
	p0 =	sne.s32 s3, $0x0  }
.Ltmp0:
0x9: {  	s1 =	rddreg [dreg:$0x2];
	s4 =	simm.s32 @!p0 $0x0;
	(pc) =	sbr.rel .LBB1_1-.Ltmp0, $4  }
0xa: {  	s10 =	simm.s32 $0x0;
	s3 =	rddreg [dreg:$0x1];
	s5 =	sadd.s32 s4, s5  }
0xb: {  	_ =	strace $0x8000004A;
	s4 =	simm.s32 $0x1;
	s5 =	smul.u32 $0x19, s5  }
0xc: {  	s12 =	simm.s32 $0x0;
	s6 =	sadd.s32 $0x800, s6;
	[sflag:s4] =	ssyncpa.u1 $0x0  }
0xd: {  	s11 =	smov.u32 s2;
	[sflag:s7] =	ssyncpa.u1 $0x0;
	s7 =	sadd.s32 $0x1, s5  }
.LBB1_7:
0xe: {  	s15 =	sadd.s32 $0x2, s10  }
0xf: {  	s13 =	sadd.s32 $0x800, s11;
	s17 =	smov.u32 s11;
	p1 =	sgt.s32 s15, $0x31  }
0x10: {  	s17 =	smov.u32 @p1 s13  }
0x11: {  	s15 =	simm.s32 @p1 $0x0;
	p1 =	sgt.s32 s17, $0xFFF  }
0x12: {  	s17 =	smov.u32 @p1 s2;
	p1 =	sne.s32 s12, s7  }
.Ltmp1:
0x13: {  	p0 =	slt.u32 s12, $0x2;
	(pc) =	sbr.rel @!p1 .LBB1_8-.Ltmp1, $4  }
0x14: {  	s16 =	simm.s32 @!p0 $0x2  }
0x15: {  	s14 =	smov.u32 s11;
	_ =	swait.ge @!p0 [sflag:s16], $0x4000  }
0x16: {  	s13 =	smov.u32 s10;
	[sflag:s16] =	ssyncset.done @!p0 $0x0;
	s10 =	smov.u32 s15  }
0x17: {  	s12 =	sadd.s32 $0x1, s12;
	[sflag:s16] =	ssyncadd.s32 @!p0 $0xFFFFC000;
	s11 =	smov.u32 s17  }
.LBB1_1:
0x18: {  	p0 =	sge.u32 s12, s5  }
0x19: {  	s15 =	sand.u32 @!p0 $0x1FFFFFF, s10  }
0x1a: {  	s16 =	smulhi.u32 @!p0 $0x4924925, s15;
	_ =	sdelay $0x1  }
0x1b: {  	s16 =	smul.u32 @!p0 $0x38, s16  }
0x1c: {  	s17 =	sxor.u32 @!p0 $0xFFFFFFFF, s12;
	s18 =	smul.u32 @!p0 $0x380, s11  }
0x1d: {  	s31 =	sadd.s32 $0xFFFFFFFF, s12;
	s17 =	sshll.u32 @!p0 s17, $0xE;
	s15 =	ssub.s32 @!p0 s15, s16  }
0x1e: {  	s16 =	sand.u32 @!p0 $0x4000, s17;
	s17 =	sadd.s32 @!p0 s6, s18;
	s15 =	sshll.u32 @!p0 s15, $0x4  }
0x1f: {  	s18 =	simm.s32 @!p0 $0x1C00;
	s15 =	sadd.s32 @!p0 s15, s17;
	s17 =	simm.s32 @!p0 $0x100  }
0x20: {  	[tilespmem:s16], [sflag:$0x1] =	stream.strided.gather @!p0 [hbm4b:s15+s17], $0x4000, s18, s17, $0x38;
	[tilespmem:$0x10000] =	vst v63  }
0x21: {  	p0 =	sge.u32 s31, s5  }
.Ltmp2:
0x22: {  	_ = 	snop;
	(pc) =	sbr.rel @p0 .LBB1_7-.Ltmp2, $1  }
0x23: {  	_ =	sdelay $0x3  }
0x24: {  	_ =	swait.ge [sflag:s4], $0x4000;
	s15 =	sshll.u32 s12, $0xE  }
0x25: {  	[sflag:s4] =	ssyncset.done $0x0;
	s16 =	sand.u32 $0x4000, s15  }
0x26: {  	s17 =	simm.s32 $0x0;
	[sflag:s4] =	ssyncadd.s32 $0xFFFFC000;
	s15 =	sor.u32 $0x8000, s16  }
.LBB1_3:
0x27: {  	s18 =	sshll.u32 s17, $0x8  }
0x28: {  	s18 =	sand.u32 $0x3FFFFF00, s18  }
0x29: {  	s19 =	sshll.u32 s17, $0x7;
	s18 =	sadd.s32 s18, s16  }
0x2a: {  	s19 =	sand.u32 $0x3FFFFF80, s19;
	v0 =	vmov s18  }
0x2b: {  	s19 =	sadd.s32 s19, s15  }
0x2c: {  	p0 =	por $0x1, $0x1;
	v1 =	vmov s19;
	s18 =	simm.s32 $0x0  }
.LBB1_4:
0x2d: {  	s19 =	sshll.u32 s18, $0x7  }
0x2e: {  	s19 =	sand.u32 $0x3FFFFF80, s19  }
0x2f: {  	v2 =	vld.idx.msk [tilespmem:v0+s19+$0x0 ss:$0x1], $0xffff  }
0x30: {  	v3 =	vld.idx.msk [tilespmem:v0+s19+$0x10 ss:$0x1], $0xffff  }
0x31: {  	v4 =	vld.idx.msk [tilespmem:v0+s19+$0x20 ss:$0x1], $0xffff  }
0x32: {  	s31 =	sshll.u32 s18, $0xD;
	v5 =	vld.idx.msk [tilespmem:v0+s19+$0x30 ss:$0x1], $0xffff  }
0x33: {  	s18 =	sand.u32 $0x3FFFE000, s31;
	v6 =	vld.idx.msk [tilespmem:v0+s19+$0x40 ss:$0x1], $0xffff  }
0x34: {  	v63 =	vld.idx.msk [tilespmem:v0+s19+$0x70 ss:$0x1], $0xffff;
	[tilespmem:v1+s18+$0x0 ss:$0x1] =	vst.idx.msk $0xffff, v2  }
0x35: {  	v2 =	vld.idx.msk [tilespmem:v0+s19+$0x50 ss:$0x1], $0xffff;
	[tilespmem:v1+s18+$0x10 ss:$0x1] =	vst.idx.msk $0xffff, v3  }
0x36: {  	p1 =	por p0, p0;
	v3 =	vld.idx.msk [tilespmem:v0+s19+$0x60 ss:$0x1], $0xffff;
	[tilespmem:v1+s18+$0x20 ss:$0x1] =	vst.idx.msk $0xffff, v4  }
.Ltmp3:
0x37: {  	[tilespmem:v1+s18+$0x30 ss:$0x1] =	vst.idx.msk $0xffff, v5;
	(pc) =	sbr.rel @p1 .LBB1_4-.Ltmp3, $4  }
0x38: {  	[tilespmem:v1+s18+$0x40 ss:$0x1] =	vst.idx.msk $0xffff, v6  }
0x39: {  	[tilespmem:v1+s18+$0x70 ss:$0x1] =	vst.idx.msk $0xffff, v63  }
0x3a: {  	[tilespmem:v1+s18+$0x50 ss:$0x1] =	vst.idx.msk $0xffff, v2  }
0x3b: {  	p0 =	por $0x0, $0x0;
	[tilespmem:v1+s18+$0x60 ss:$0x1] =	vst.idx.msk $0xffff, v3;
	s18 =	simm.s32 $0x1  }
0x3c: {  	s17 =	sadd.s32 $0x1, s17  }
0x3d: {  	p0 =	sne.s32 s17, $0x40  }
.Ltmp4:
0x3e: {  	_ = 	snop;
	(pc) =	sbr.rel @p0 .LBB1_3-.Ltmp4, $1  }
0x3f: {  	_ =	sdelay $0x3  }
.Ltmp5:
0x40: {  	s14 =	sshll.u32 s14, $0x4;
	(pc) =	sbr.rel .LBB1_7-.Ltmp5, $4  }
0x41: {  	s14 =	sand.u32 $0xFFF0, s14  }
0x42: {  	s13 =	sshll.u32 s13, $0x10;
	s14 =	sadd.s32 s3, s14  }
0x43: {  	s13 =	sadd.s32 s13, s14  }
0x44: {  	[hbm4b:s13+s8] =	stream.strided.scatter [tilespmem:s15], [sflag:$0x2], $0x4000, s9, s8, $0x38;
	[tilespmem:$0x10000] =	vst v63  }
.LBB1_8:
0x45: {  	_ =	sfence.sel $0x180000  }
0x46: {  	s2 =	simm.s32 $0x1;
	[bflag:$0x0] =	sbarrier.arrive $0xFFFF  }
0x47: {  	s31 =	simm.s32 $0x2;
	[sflag:s2] =	ssyncpa.u1 $0x1  }
0x48: {  	[sflag:s31] =	ssyncpa.u1 $0x1  }
0x49: {  	p0 =	sne.s32 s0, $0x0;
	_ =	strace $0x9000004A  }
0x4a: {  	s0 =	sadd.s32 @!p0 $0x100000, s1;
	[bflag:$0x2] =	sbarrier.arrive $0xFFFF  }
0x4b: {  	[sflag:s0] =	ssyncadd.tile.s32 @!p0 $0x1;
	_ =	shalt  }
.Lfunc_end1:
_tile_overlayer_lowered:
.L_overlay_start_2:
0x4c: {  	(tag) =	ssettag $0x2  }
0x4d: {  	s0 =	rddreg [dreg:$0x0];
	s2 =	stileid.u32  }
0x4e: {  	s1 =	rddreg [dreg:$0x1];
	p0 =	sne.s32 s2, $0x0  }
0x4f: {  	s3 =	rddreg [dreg:$0x2];
	[bflag:$0x3] =	sbarrier.arrive $0xFFFF;
	s2 =	simm.s32 @!p0 $0x1C01  }
0x50: {  	[timem:s3], [sflag:s2] =	dma.local @!p0 [hbm:s0], s1  }
0x51: {  	s0 =	simm.s32 @!p0 $0x1  }
0x52: {  	_ =	swait.ge @!p0 [sflag:s0], s1  }
0x53: {  	s1 =	ssub.s32 @!p0 $0x0, s1;
	[sflag:s0] =	ssyncset.done @!p0 $0x0  }
0x54: {  	[sflag:s0] =	ssyncadd.s32 @!p0 s1  }
0x55: {  	[bflag:$0x3] =	sbarrier.arrive $0xFFFF  }
0x56: {  	_ =	shalt  }

</sc_bundles>
